<compile_context>
chip_gen: v7x
topology: tpu7x:2x2x1
jax: 0.10.2.dev20260603
libtpu: 0.0.44.dev20260713+nightly
codegen_flags: <defaults>
</compile_context>

<pallas_src>
import functools

import jax
import jax.numpy as jnp
from jax import lax
from jax.experimental import pallas as pl
from jax.experimental.pallas import tpu as pltpu
from jax.experimental.pallas import tpu_sc as plsc

_NUM_CORES = 2
_NUM_SUBCORES = 16
_NW = _NUM_CORES * _NUM_SUBCORES

_CHUNK = 128
_NBUF = 8


@functools.partial(jax.jit, static_argnames=("n_chunks", "dim"))
def _lookup(ids3d, embeddings, *, n_chunks, dim):
  n_per_w = n_chunks * _CHUNK
  total = _NW * n_per_w

  mesh = plsc.VectorSubcoreMesh(core_axis_name="c", subcore_axis_name="s")

  @functools.partial(
      pl.kernel,
      out_type=jax.ShapeDtypeStruct((total, dim), jnp.float32),
      mesh=mesh,
      compiler_params=pltpu.CompilerParams(use_tc_tiling_on_sc=False),
      scratch_types=[
          pltpu.VMEM((n_chunks, _CHUNK), jnp.int32),
          pltpu.VMEM((_NBUF, _CHUNK, dim), jnp.float32),
          pltpu.SemaphoreType.DMA((_NBUF,)),
          pltpu.SemaphoreType.DMA((_NBUF,)),
      ],
  )
  def gather_kernel(ids_hbm, table_hbm, out_hbm, idx_v, rows_v, gsem, ssem):
    wid = lax.axis_index("s") * _NUM_CORES + lax.axis_index("c")
    base = wid * n_per_w
    pltpu.sync_copy(ids_hbm.at[wid], idx_v)

    def start_gather(chunk, slot):
      pltpu.async_copy(table_hbm.at[idx_v.at[chunk]], rows_v.at[slot],
                       gsem.at[slot])

    for b in range(_NBUF - 1):
      start_gather(b, b)

    @pl.loop(0, n_chunks)
    def _chunk(j):
      b = lax.rem(j, _NBUF)
      pltpu.make_async_copy(table_hbm.at[idx_v.at[j]], rows_v.at[b],
                            gsem.at[b]).wait()
      pltpu.async_copy(rows_v.at[b], out_hbm.at[pl.ds(base + j * _CHUNK,
                                                      _CHUNK)], ssem.at[b])
      k = j + _NBUF - 1
      b2 = lax.rem(k, _NBUF)

      @pl.when(k < n_chunks)
      def _refill():
        @pl.when(j > 0)
        def _drain():
          pltpu.make_async_copy(rows_v.at[b2],
                                out_hbm.at[pl.ds(base, _CHUNK)],
                                ssem.at[b2]).wait()

        start_gather(k, b2)

    for b in range(_NBUF):
      slot = (n_chunks - _NBUF + b) % _NBUF
      pltpu.make_async_copy(rows_v.at[slot],
                            out_hbm.at[pl.ds(base, _CHUNK)],
                            ssem.at[slot]).wait()

  return gather_kernel(ids3d, embeddings)


def kernel(ids, embeddings):
  batch, hist = ids.shape
  _, dim = embeddings.shape
  n = batch * hist
  assert n % (_NW * _CHUNK) == 0
  n_chunks = n // (_NW * _CHUNK)
  ids3d = ids.reshape(_NW, n_chunks, _CHUNK).astype(jnp.int32)
  out = _lookup(ids3d, embeddings, n_chunks=n_chunks, dim=dim)
  return out.reshape(batch, hist, dim)

# --- scband reference (transcript-rebuilt; emitter-appended) ---
"""Pipeline reference for scband-embedding-83373905150077 (READ-ONLY COPY).

The authoritative reference and input builder live on the scoring server;
editing this copy changes nothing except your own understanding.
"""

import jax, jax.numpy as jnp
import numpy as np

INPUT_DIM = 1000000
OUTPUT_DIM = 32
BATCH = 16384
HIST = 50


def setup_inputs(seed: int = 0) -> dict:
    key = jax.random.key(seed)
    k_ids, k_emb = jax.random.split(key)
    ids = jax.random.randint(k_ids, (BATCH, HIST), 0, INPUT_DIM, dtype=jnp.int64 if jax.config.jax_enable_x64 else jnp.int32)
    embeddings = jax.random.normal(k_emb, (INPUT_DIM, OUTPUT_DIM), dtype=jnp.float32) * 0.2
    return {"ids": ids, "embeddings": embeddings}


def reference(ids, embeddings):
    # Faithful translation of tf.nn.embedding_lookup(self.embeddings, ids)
    return jnp.take(embeddings, ids, axis=0)

if __name__ == "__main__":
    import jax
    _d = setup_inputs()
    print(jax.jit(kernel)(*tuple(_d.values())))

</pallas_src>

<mosaic_0001>
#map = affine_map<(d0, d1) -> (0, 0, 0)>
#map1 = affine_map<(d0, d1) -> (0, 0)>
module attributes {stable_mosaic.version = 14 : i64} {
  func.func @gather_kernel(%arg0: i32, %arg1: i32, %arg2: memref<32x200x128xi32, #tpu.memory_space<hbm>>, %arg3: memref<1000000x32xf32, #tpu.memory_space<hbm>>, %arg4: memref<819200x32xf32, #tpu.memory_space<hbm>>, %arg5: memref<200x128xi32, #tpu.memory_space<vmem>>, %arg6: memref<8x128x32xf32, #tpu.memory_space<vmem>>, %arg7: memref<8x!tpu.dma_semaphore, #tpu.memory_space<semaphore_mem>>, %arg8: memref<8x!tpu.dma_semaphore, #tpu.memory_space<semaphore_mem>>) attributes {dimension_semantics = [#tpu.dimension_semantics<core_parallel>, #tpu.dimension_semantics<subcore_parallel>], iteration_bounds = array<i64: 2, 16>, scalar_prefetch = 0 : i64, scratch_operands = 4 : i64, tpu.core_type = #tpu.core_type<sc_vector_subcore>, window_params = [{transform_indices = #map}, {transform_indices = #map1}, {transform_indices = #map1}]} {
    %mul3A = arith.constant 2 : i32
    %mul3A_0 = arith.muli %arg1, %mul3A : i32
    %add3A = arith.addi %mul3A_0, %arg0 : i32
    %mul3A_1 = arith.constant 25600 : i32
    %mul3A_2 = arith.muli %add3A, %mul3A_1 : i32
    "tpu.region"() ({
      %run_scoped3A = tpu.sem_alloc : memref<!tpu.dma_semaphore, #tpu.memory_space<semaphore_mem>>
      %dma_start3A_238 = arith.constant 0 : i32
      %dma_start3A_239 = arith.constant 0 : i32
      %dma_start3A_240 = tpu.memref_slice %arg2[%add3A, %dma_start3A_238, %dma_start3A_239] : memref<32x200x128xi32, #tpu.memory_space<hbm>> -> memref<1x200x128xi32, #tpu.memory_space<hbm>>
      %dma_start3A_241 = tpu.memref_squeeze %dma_start3A_240 : memref<1x200x128xi32, #tpu.memory_space<hbm>> -> memref<200x128xi32, #tpu.memory_space<hbm>>
      %dma_start3A_242 = arith.constant 0 : i32
      %dma_start3A_243 = arith.constant 0 : i32
      %dma_start3A_244 = tpu.memref_slice %arg2[%add3A, %dma_start3A_242, %dma_start3A_243] : memref<32x200x128xi32, #tpu.memory_space<hbm>> -> memref<1x200x128xi32, #tpu.memory_space<hbm>>
      %dma_start3A_245 = tpu.memref_squeeze %dma_start3A_244 : memref<1x200x128xi32, #tpu.memory_space<hbm>> -> memref<200x128xi32, #tpu.memory_space<hbm>>
      tpu.enqueue_dma source(%dma_start3A_245 : memref<200x128xi32, #tpu.memory_space<hbm>>) target(%arg5 : memref<200x128xi32, #tpu.memory_space<vmem>>) target_semaphore(%run_scoped3A : memref<!tpu.dma_semaphore, #tpu.memory_space<semaphore_mem>>)
      %dma_wait3A_246 = arith.constant 0 : i32
      %dma_wait3A_247 = arith.constant 0 : i32
      %dma_wait3A_248 = tpu.memref_slice %arg2[%add3A, %dma_wait3A_246, %dma_wait3A_247] : memref<32x200x128xi32, #tpu.memory_space<hbm>> -> memref<1x200x128xi32, #tpu.memory_space<hbm>>
      %dma_wait3A_249 = tpu.memref_squeeze %dma_wait3A_248 : memref<1x200x128xi32, #tpu.memory_space<hbm>> -> memref<200x128xi32, #tpu.memory_space<hbm>>
      %dma_wait3A_250 = arith.constant 0 : i32
      %dma_wait3A_251 = arith.constant 0 : i32
      %dma_wait3A_252 = tpu.memref_slice %arg2[%add3A, %dma_wait3A_250, %dma_wait3A_251] : memref<32x200x128xi32, #tpu.memory_space<hbm>> -> memref<1x200x128xi32, #tpu.memory_space<hbm>>
      %dma_wait3A_253 = tpu.memref_squeeze %dma_wait3A_252 : memref<1x200x128xi32, #tpu.memory_space<hbm>> -> memref<200x128xi32, #tpu.memory_space<hbm>>
      tpu.wait_dma2 semaphore(%run_scoped3A : memref<!tpu.dma_semaphore, #tpu.memory_space<semaphore_mem>>) src(%dma_wait3A_253 : memref<200x128xi32, #tpu.memory_space<hbm>>) dst(%arg5 : memref<200x128xi32, #tpu.memory_space<vmem>>)
      tpu.yield
    }) : () -> ()
    %dma_start3A = arith.constant 0 : i32
    %dma_start3A_3 = arith.constant 0 : i32
    %dma_start3A_4 = arith.constant 0 : i32
    %dma_start3A_5 = arith.constant 0 : i32
    %dma_start3A_6 = arith.constant 0 : i32
    %dma_start3A_7 = tpu.memref_slice %arg6[%dma_start3A_3, %dma_start3A_5, %dma_start3A_6] : memref<8x128x32xf32, #tpu.memory_space<vmem>> -> memref<1x128x32xf32, #tpu.memory_space<vmem>>
    %dma_start3A_8 = tpu.memref_squeeze %dma_start3A_7 : memref<1x128x32xf32, #tpu.memory_space<vmem>> -> memref<128x32xf32, #tpu.memory_space<vmem>>
    %dma_start3A_9 = arith.constant 0 : i32
    %dma_start3A_10 = tpu.memref_slice %arg5[%dma_start3A, %dma_start3A_9] : memref<200x128xi32, #tpu.memory_space<vmem>> -> memref<1x128xi32, #tpu.memory_space<vmem>>
    %dma_start3A_11 = tpu.memref_squeeze %dma_start3A_10 : memref<1x128xi32, #tpu.memory_space<vmem>> -> memref<128xi32, #tpu.memory_space<vmem>>
    %dma_start3A_12 = arith.constant 0 : i32
    %dma_start3A_13 = arith.constant 0 : i32
    %dma_start3A_14 = tpu.memref_slice %arg3[%dma_start3A_12, %dma_start3A_13] : memref<1000000x32xf32, #tpu.memory_space<hbm>> -> memref<1000000x32xf32, #tpu.memory_space<hbm>>
    %dma_start3A_15 = tpu.memref_slice %arg7[%dma_start3A_4] : memref<8x!tpu.dma_semaphore, #tpu.memory_space<semaphore_mem>> -> memref<1x!tpu.dma_semaphore, #tpu.memory_space<semaphore_mem>>
    %dma_start3A_16 = tpu.memref_squeeze %dma_start3A_15 : memref<1x!tpu.dma_semaphore, #tpu.memory_space<semaphore_mem>> -> memref<!tpu.dma_semaphore, #tpu.memory_space<semaphore_mem>>
    tpu.enqueue_indirect_dma source(%dma_start3A_14 : memref<1000000x32xf32, #tpu.memory_space<hbm>>) target(%dma_start3A_8 : memref<128x32xf32, #tpu.memory_space<vmem>>) offsets(%dma_start3A_11 : memref<128xi32, #tpu.memory_space<vmem>>) semaphore(%dma_start3A_16 : memref<!tpu.dma_semaphore, #tpu.memory_space<semaphore_mem>>)
    %dma_start3A_17 = arith.constant 1 : i32
    %dma_start3A_18 = arith.constant 1 : i32
    %dma_start3A_19 = arith.constant 1 : i32
    %dma_start3A_20 = arith.constant 0 : i32
    %dma_start3A_21 = arith.constant 0 : i32
    %dma_start3A_22 = tpu.memref_slice %arg6[%dma_start3A_18, %dma_start3A_20, %dma_start3A_21] : memref<8x128x32xf32, #tpu.memory_space<vmem>> -> memref<1x128x32xf32, #tpu.memory_space<vmem>>
    %dma_start3A_23 = tpu.memref_squeeze %dma_start3A_22 : memref<1x128x32xf32, #tpu.memory_space<vmem>> -> memref<128x32xf32, #tpu.memory_space<vmem>>
    %dma_start3A_24 = arith.constant 0 : i32
    %dma_start3A_25 = tpu.memref_slice %arg5[%dma_start3A_17, %dma_start3A_24] : memref<200x128xi32, #tpu.memory_space<vmem>> -> memref<1x128xi32, #tpu.memory_space<vmem>>
    %dma_start3A_26 = tpu.memref_squeeze %dma_start3A_25 : memref<1x128xi32, #tpu.memory_space<vmem>> -> memref<128xi32, #tpu.memory_space<vmem>>
    %dma_start3A_27 = arith.constant 0 : i32
    %dma_start3A_28 = arith.constant 0 : i32
    %dma_start3A_29 = tpu.memref_slice %arg3[%dma_start3A_27, %dma_start3A_28] : memref<1000000x32xf32, #tpu.memory_space<hbm>> -> memref<1000000x32xf32, #tpu.memory_space<hbm>>
    %dma_start3A_30 = tpu.memref_slice %arg7[%dma_start3A_19] : memref<8x!tpu.dma_semaphore, #tpu.memory_space<semaphore_mem>> -> memref<1x!tpu.dma_semaphore, #tpu.memory_space<semaphore_mem>>
    %dma_start3A_31 = tpu.memref_squeeze %dma_start3A_30 : memref<1x!tpu.dma_semaphore, #tpu.memory_space<semaphore_mem>> -> memref<!tpu.dma_semaphore, #tpu.memory_space<semaphore_mem>>
    tpu.enqueue_indirect_dma source(%dma_start3A_29 : memref<1000000x32xf32, #tpu.memory_space<hbm>>) target(%dma_start3A_23 : memref<128x32xf32, #tpu.memory_space<vmem>>) offsets(%dma_start3A_26 : memref<128xi32, #tpu.memory_space<vmem>>) semaphore(%dma_start3A_31 : memref<!tpu.dma_semaphore, #tpu.memory_space<semaphore_mem>>)
    %dma_start3A_32 = arith.constant 2 : i32
    %dma_start3A_33 = arith.constant 2 : i32
    %dma_start3A_34 = arith.constant 2 : i32
    %dma_start3A_35 = arith.constant 0 : i32
    %dma_start3A_36 = arith.constant 0 : i32
    %dma_start3A_37 = tpu.memref_slice %arg6[%dma_start3A_33, %dma_start3A_35, %dma_start3A_36] : memref<8x128x32xf32, #tpu.memory_space<vmem>> -> memref<1x128x32xf32, #tpu.memory_space<vmem>>
    %dma_start3A_38 = tpu.memref_squeeze %dma_start3A_37 : memref<1x128x32xf32, #tpu.memory_space<vmem>> -> memref<128x32xf32, #tpu.memory_space<vmem>>
    %dma_start3A_39 = arith.constant 0 : i32
    %dma_start3A_40 = tpu.memref_slice %arg5[%dma_start3A_32, %dma_start3A_39] : memref<200x128xi32, #tpu.memory_space<vmem>> -> memref<1x128xi32, #tpu.memory_space<vmem>>
    %dma_start3A_41 = tpu.memref_squeeze %dma_start3A_40 : memref<1x128xi32, #tpu.memory_space<vmem>> -> memref<128xi32, #tpu.memory_space<vmem>>
    %dma_start3A_42 = arith.constant 0 : i32
    %dma_start3A_43 = arith.constant 0 : i32
    %dma_start3A_44 = tpu.memref_slice %arg3[%dma_start3A_42, %dma_start3A_43] : memref<1000000x32xf32, #tpu.memory_space<hbm>> -> memref<1000000x32xf32, #tpu.memory_space<hbm>>
    %dma_start3A_45 = tpu.memref_slice %arg7[%dma_start3A_34] : memref<8x!tpu.dma_semaphore, #tpu.memory_space<semaphore_mem>> -> memref<1x!tpu.dma_semaphore, #tpu.memory_space<semaphore_mem>>
    %dma_start3A_46 = tpu.memref_squeeze %dma_start3A_45 : memref<1x!tpu.dma_semaphore, #tpu.memory_space<semaphore_mem>> -> memref<!tpu.dma_semaphore, #tpu.memory_space<semaphore_mem>>
    tpu.enqueue_indirect_dma source(%dma_start3A_44 : memref<1000000x32xf32, #tpu.memory_space<hbm>>) target(%dma_start3A_38 : memref<128x32xf32, #tpu.memory_space<vmem>>) offsets(%dma_start3A_41 : memref<128xi32, #tpu.memory_space<vmem>>) semaphore(%dma_start3A_46 : memref<!tpu.dma_semaphore, #tpu.memory_space<semaphore_mem>>)
    %dma_start3A_47 = arith.constant 3 : i32
    %dma_start3A_48 = arith.constant 3 : i32
    %dma_start3A_49 = arith.constant 3 : i32
    %dma_start3A_50 = arith.constant 0 : i32
    %dma_start3A_51 = arith.constant 0 : i32
    %dma_start3A_52 = tpu.memref_slice %arg6[%dma_start3A_48, %dma_start3A_50, %dma_start3A_51] : memref<8x128x32xf32, #tpu.memory_space<vmem>> -> memref<1x128x32xf32, #tpu.memory_space<vmem>>
    %dma_start3A_53 = tpu.memref_squeeze %dma_start3A_52 : memref<1x128x32xf32, #tpu.memory_space<vmem>> -> memref<128x32xf32, #tpu.memory_space<vmem>>
    %dma_start3A_54 = arith.constant 0 : i32
    %dma_start3A_55 = tpu.memref_slice %arg5[%dma_start3A_47, %dma_start3A_54] : memref<200x128xi32, #tpu.memory_space<vmem>> -> memref<1x128xi32, #tpu.memory_space<vmem>>
    %dma_start3A_56 = tpu.memref_squeeze %dma_start3A_55 : memref<1x128xi32, #tpu.memory_space<vmem>> -> memref<128xi32, #tpu.memory_space<vmem>>
    %dma_start3A_57 = arith.constant 0 : i32
    %dma_start3A_58 = arith.constant 0 : i32
    %dma_start3A_59 = tpu.memref_slice %arg3[%dma_start3A_57, %dma_start3A_58] : memref<1000000x32xf32, #tpu.memory_space<hbm>> -> memref<1000000x32xf32, #tpu.memory_space<hbm>>
    %dma_start3A_60 = tpu.memref_slice %arg7[%dma_start3A_49] : memref<8x!tpu.dma_semaphore, #tpu.memory_space<semaphore_mem>> -> memref<1x!tpu.dma_semaphore, #tpu.memory_space<semaphore_mem>>
    %dma_start3A_61 = tpu.memref_squeeze %dma_start3A_60 : memref<1x!tpu.dma_semaphore, #tpu.memory_space<semaphore_mem>> -> memref<!tpu.dma_semaphore, #tpu.memory_space<semaphore_mem>>
    tpu.enqueue_indirect_dma source(%dma_start3A_59 : memref<1000000x32xf32, #tpu.memory_space<hbm>>) target(%dma_start3A_53 : memref<128x32xf32, #tpu.memory_space<vmem>>) offsets(%dma_start3A_56 : memref<128xi32, #tpu.memory_space<vmem>>) semaphore(%dma_start3A_61 : memref<!tpu.dma_semaphore, #tpu.memory_space<semaphore_mem>>)
    %dma_start3A_62 = arith.constant 4 : i32
    %dma_start3A_63 = arith.constant 4 : i32
    %dma_start3A_64 = arith.constant 4 : i32
    %dma_start3A_65 = arith.constant 0 : i32
    %dma_start3A_66 = arith.constant 0 : i32
    %dma_start3A_67 = tpu.memref_slice %arg6[%dma_start3A_63, %dma_start3A_65, %dma_start3A_66] : memref<8x128x32xf32, #tpu.memory_space<vmem>> -> memref<1x128x32xf32, #tpu.memory_space<vmem>>
    %dma_start3A_68 = tpu.memref_squeeze %dma_start3A_67 : memref<1x128x32xf32, #tpu.memory_space<vmem>> -> memref<128x32xf32, #tpu.memory_space<vmem>>
    %dma_start3A_69 = arith.constant 0 : i32
    %dma_start3A_70 = tpu.memref_slice %arg5[%dma_start3A_62, %dma_start3A_69] : memref<200x128xi32, #tpu.memory_space<vmem>> -> memref<1x128xi32, #tpu.memory_space<vmem>>
    %dma_start3A_71 = tpu.memref_squeeze %dma_start3A_70 : memref<1x128xi32, #tpu.memory_space<vmem>> -> memref<128xi32, #tpu.memory_space<vmem>>
    %dma_start3A_72 = arith.constant 0 : i32
    %dma_start3A_73 = arith.constant 0 : i32
    %dma_start3A_74 = tpu.memref_slice %arg3[%dma_start3A_72, %dma_start3A_73] : memref<1000000x32xf32, #tpu.memory_space<hbm>> -> memref<1000000x32xf32, #tpu.memory_space<hbm>>
    %dma_start3A_75 = tpu.memref_slice %arg7[%dma_start3A_64] : memref<8x!tpu.dma_semaphore, #tpu.memory_space<semaphore_mem>> -> memref<1x!tpu.dma_semaphore, #tpu.memory_space<semaphore_mem>>
    %dma_start3A_76 = tpu.memref_squeeze %dma_start3A_75 : memref<1x!tpu.dma_semaphore, #tpu.memory_space<semaphore_mem>> -> memref<!tpu.dma_semaphore, #tpu.memory_space<semaphore_mem>>
    tpu.enqueue_indirect_dma source(%dma_start3A_74 : memref<1000000x32xf32, #tpu.memory_space<hbm>>) target(%dma_start3A_68 : memref<128x32xf32, #tpu.memory_space<vmem>>) offsets(%dma_start3A_71 : memref<128xi32, #tpu.memory_space<vmem>>) semaphore(%dma_start3A_76 : memref<!tpu.dma_semaphore, #tpu.memory_space<semaphore_mem>>)
    %dma_start3A_77 = arith.constant 5 : i32
    %dma_start3A_78 = arith.constant 5 : i32
    %dma_start3A_79 = arith.constant 5 : i32
    %dma_start3A_80 = arith.constant 0 : i32
    %dma_start3A_81 = arith.constant 0 : i32
    %dma_start3A_82 = tpu.memref_slice %arg6[%dma_start3A_78, %dma_start3A_80, %dma_start3A_81] : memref<8x128x32xf32, #tpu.memory_space<vmem>> -> memref<1x128x32xf32, #tpu.memory_space<vmem>>
    %dma_start3A_83 = tpu.memref_squeeze %dma_start3A_82 : memref<1x128x32xf32, #tpu.memory_space<vmem>> -> memref<128x32xf32, #tpu.memory_space<vmem>>
    %dma_start3A_84 = arith.constant 0 : i32
    %dma_start3A_85 = tpu.memref_slice %arg5[%dma_start3A_77, %dma_start3A_84] : memref<200x128xi32, #tpu.memory_space<vmem>> -> memref<1x128xi32, #tpu.memory_space<vmem>>
    %dma_start3A_86 = tpu.memref_squeeze %dma_start3A_85 : memref<1x128xi32, #tpu.memory_space<vmem>> -> memref<128xi32, #tpu.memory_space<vmem>>
    %dma_start3A_87 = arith.constant 0 : i32
    %dma_start3A_88 = arith.constant 0 : i32
    %dma_start3A_89 = tpu.memref_slice %arg3[%dma_start3A_87, %dma_start3A_88] : memref<1000000x32xf32, #tpu.memory_space<hbm>> -> memref<1000000x32xf32, #tpu.memory_space<hbm>>
    %dma_start3A_90 = tpu.memref_slice %arg7[%dma_start3A_79] : memref<8x!tpu.dma_semaphore, #tpu.memory_space<semaphore_mem>> -> memref<1x!tpu.dma_semaphore, #tpu.memory_space<semaphore_mem>>
    %dma_start3A_91 = tpu.memref_squeeze %dma_start3A_90 : memref<1x!tpu.dma_semaphore, #tpu.memory_space<semaphore_mem>> -> memref<!tpu.dma_semaphore, #tpu.memory_space<semaphore_mem>>
    tpu.enqueue_indirect_dma source(%dma_start3A_89 : memref<1000000x32xf32, #tpu.memory_space<hbm>>) target(%dma_start3A_83 : memref<128x32xf32, #tpu.memory_space<vmem>>) offsets(%dma_start3A_86 : memref<128xi32, #tpu.memory_space<vmem>>) semaphore(%dma_start3A_91 : memref<!tpu.dma_semaphore, #tpu.memory_space<semaphore_mem>>)
    %dma_start3A_92 = arith.constant 6 : i32
    %dma_start3A_93 = arith.constant 6 : i32
    %dma_start3A_94 = arith.constant 6 : i32
    %dma_start3A_95 = arith.constant 0 : i32
    %dma_start3A_96 = arith.constant 0 : i32
    %dma_start3A_97 = tpu.memref_slice %arg6[%dma_start3A_93, %dma_start3A_95, %dma_start3A_96] : memref<8x128x32xf32, #tpu.memory_space<vmem>> -> memref<1x128x32xf32, #tpu.memory_space<vmem>>
    %dma_start3A_98 = tpu.memref_squeeze %dma_start3A_97 : memref<1x128x32xf32, #tpu.memory_space<vmem>> -> memref<128x32xf32, #tpu.memory_space<vmem>>
    %dma_start3A_99 = arith.constant 0 : i32
    %dma_start3A_100 = tpu.memref_slice %arg5[%dma_start3A_92, %dma_start3A_99] : memref<200x128xi32, #tpu.memory_space<vmem>> -> memref<1x128xi32, #tpu.memory_space<vmem>>
    %dma_start3A_101 = tpu.memref_squeeze %dma_start3A_100 : memref<1x128xi32, #tpu.memory_space<vmem>> -> memref<128xi32, #tpu.memory_space<vmem>>
    %dma_start3A_102 = arith.constant 0 : i32
    %dma_start3A_103 = arith.constant 0 : i32
    %dma_start3A_104 = tpu.memref_slice %arg3[%dma_start3A_102, %dma_start3A_103] : memref<1000000x32xf32, #tpu.memory_space<hbm>> -> memref<1000000x32xf32, #tpu.memory_space<hbm>>
    %dma_start3A_105 = tpu.memref_slice %arg7[%dma_start3A_94] : memref<8x!tpu.dma_semaphore, #tpu.memory_space<semaphore_mem>> -> memref<1x!tpu.dma_semaphore, #tpu.memory_space<semaphore_mem>>
    %dma_start3A_106 = tpu.memref_squeeze %dma_start3A_105 : memref<1x!tpu.dma_semaphore, #tpu.memory_space<semaphore_mem>> -> memref<!tpu.dma_semaphore, #tpu.memory_space<semaphore_mem>>
    tpu.enqueue_indirect_dma source(%dma_start3A_104 : memref<1000000x32xf32, #tpu.memory_space<hbm>>) target(%dma_start3A_98 : memref<128x32xf32, #tpu.memory_space<vmem>>) offsets(%dma_start3A_101 : memref<128xi32, #tpu.memory_space<vmem>>) semaphore(%dma_start3A_106 : memref<!tpu.dma_semaphore, #tpu.memory_space<semaphore_mem>>)
    %scan3A = arith.constant 0 : i32
    %scan3A_107 = arith.constant 200 : i32
    %scan3A_108 = arith.addi %scan3A, %scan3A_107 : i32
    %scan3A_109 = arith.constant 1 : i32
    scf.for %scan3A_238 = %scan3A to %scan3A_108 step %scan3A_109  : i32 {
      %mul3A_239 = arith.constant 1 : i32
      %mul3A_240 = arith.muli %scan3A_238, %mul3A_239 : i32
      %add3A_241 = arith.constant 0 : i32
      %add3A_242 = arith.addi %add3A_241, %mul3A_240 : i32
      %rem3A = arith.constant 8 : i32
      %rem3A_243 = arith.remsi %add3A_242, %rem3A : i32
      %dma_wait3A_244 = arith.constant 0 : i32
      %dma_wait3A_245 = arith.constant 0 : i32
      %dma_wait3A_246 = tpu.memref_slice %arg6[%rem3A_243, %dma_wait3A_244, %dma_wait3A_245] : memref<8x128x32xf32, #tpu.memory_space<vmem>> -> memref<1x128x32xf32, #tpu.memory_space<vmem>>
      %dma_wait3A_247 = tpu.memref_squeeze %dma_wait3A_246 : memref<1x128x32xf32, #tpu.memory_space<vmem>> -> memref<128x32xf32, #tpu.memory_space<vmem>>
      %dma_wait3A_248 = arith.constant 0 : i32
      %dma_wait3A_249 = tpu.memref_slice %arg5[%add3A_242, %dma_wait3A_248] : memref<200x128xi32, #tpu.memory_space<vmem>> -> memref<1x128xi32, #tpu.memory_space<vmem>>
      %dma_wait3A_250 = tpu.memref_squeeze %dma_wait3A_249 : memref<1x128xi32, #tpu.memory_space<vmem>> -> memref<128xi32, #tpu.memory_space<vmem>>
      %dma_wait3A_251 = arith.constant 0 : i32
      %dma_wait3A_252 = arith.constant 0 : i32
      %dma_wait3A_253 = tpu.memref_slice %arg3[%dma_wait3A_251, %dma_wait3A_252] : memref<1000000x32xf32, #tpu.memory_space<hbm>> -> memref<1000000x32xf32, #tpu.memory_space<hbm>>
      %dma_wait3A_254 = tpu.memref_slice %arg7[%rem3A_243] : memref<8x!tpu.dma_semaphore, #tpu.memory_space<semaphore_mem>> -> memref<1x!tpu.dma_semaphore, #tpu.memory_space<semaphore_mem>>
      %dma_wait3A_255 = tpu.memref_squeeze %dma_wait3A_254 : memref<1x!tpu.dma_semaphore, #tpu.memory_space<semaphore_mem>> -> memref<!tpu.dma_semaphore, #tpu.memory_space<semaphore_mem>>
      tpu.wait_indirect_dma semaphore(%dma_wait3A_255 : memref<!tpu.dma_semaphore, #tpu.memory_space<semaphore_mem>>) src(%dma_wait3A_253 : memref<1000000x32xf32, #tpu.memory_space<hbm>>) dst(%dma_wait3A_247 : memref<128x32xf32, #tpu.memory_space<vmem>>)
      %mul3A_256 = arith.constant 128 : i32
      %mul3A_257 = arith.muli %add3A_242, %mul3A_256 : i32
      %add3A_258 = arith.addi %mul3A_2, %mul3A_257 : i32
      %dma_start3A_259 = arith.constant 0 : i32
      %dma_start3A_260 = arith.constant 0 : i32
      %dma_start3A_261 = tpu.memref_slice %arg6[%rem3A_243, %dma_start3A_259, %dma_start3A_260] : memref<8x128x32xf32, #tpu.memory_space<vmem>> -> memref<1x128x32xf32, #tpu.memory_space<vmem>>
      %dma_start3A_262 = tpu.memref_squeeze %dma_start3A_261 : memref<1x128x32xf32, #tpu.memory_space<vmem>> -> memref<128x32xf32, #tpu.memory_space<vmem>>
      %dma_start3A_263 = arith.constant 0 : i32
      %dma_start3A_264 = tpu.memref_slice %arg4[%add3A_258, %dma_start3A_263] : memref<819200x32xf32, #tpu.memory_space<hbm>> -> memref<128x32xf32, #tpu.memory_space<hbm>>
      %dma_start3A_265 = tpu.memref_slice %arg8[%rem3A_243] : memref<8x!tpu.dma_semaphore, #tpu.memory_space<semaphore_mem>> -> memref<1x!tpu.dma_semaphore, #tpu.memory_space<semaphore_mem>>
      %dma_start3A_266 = tpu.memref_squeeze %dma_start3A_265 : memref<1x!tpu.dma_semaphore, #tpu.memory_space<semaphore_mem>> -> memref<!tpu.dma_semaphore, #tpu.memory_space<semaphore_mem>>
      %dma_start3A_267 = arith.constant 0 : i32
      %dma_start3A_268 = tpu.memref_slice %arg4[%add3A_258, %dma_start3A_267] : memref<819200x32xf32, #tpu.memory_space<hbm>> -> memref<128x32xf32, #tpu.memory_space<hbm>>
      %dma_start3A_269 = arith.constant 0 : i32
      %dma_start3A_270 = arith.constant 0 : i32
      %dma_start3A_271 = tpu.memref_slice %arg6[%rem3A_243, %dma_start3A_269, %dma_start3A_270] : memref<8x128x32xf32, #tpu.memory_space<vmem>> -> memref<1x128x32xf32, #tpu.memory_space<vmem>>
      %dma_start3A_272 = tpu.memref_squeeze %dma_start3A_271 : memref<1x128x32xf32, #tpu.memory_space<vmem>> -> memref<128x32xf32, #tpu.memory_space<vmem>>
      tpu.enqueue_dma source(%dma_start3A_272 : memref<128x32xf32, #tpu.memory_space<vmem>>) target(%dma_start3A_268 : memref<128x32xf32, #tpu.memory_space<hbm>>) target_semaphore(%dma_start3A_266 : memref<!tpu.dma_semaphore, #tpu.memory_space<semaphore_mem>>)
      %add3A_273 = arith.constant 8 : i32
      %add3A_274 = arith.addi %add3A_242, %add3A_273 : i32
      %sub3A = arith.constant 1 : i32
      %sub3A_275 = arith.subi %add3A_274, %sub3A : i32
      %rem3A_276 = arith.constant 8 : i32
      %rem3A_277 = arith.remsi %sub3A_275, %rem3A_276 : i32
      %lt3A = arith.constant 200 : i32
      %lt3A_278 = arith.cmpi slt, %sub3A_275, %lt3A : i32
      %convert_element_type3A = arith.extui %lt3A_278 : i1 to i32
      %cond3A = arith.constant 0 : i32
      %cond3A_279 = arith.cmpi ne, %convert_element_type3A, %cond3A : i32
      scf.if %cond3A_279 {
        %gt3A = arith.constant 0 : i32
        %gt3A_280 = arith.cmpi sgt, %add3A_242, %gt3A : i32
        %convert_element_type3A_281 = arith.extui %gt3A_280 : i1 to i32
        %cond3A_282 = arith.constant 0 : i32
        %cond3A_283 = arith.cmpi ne, %convert_element_type3A_281, %cond3A_282 : i32
        scf.if %cond3A_283 {
          %dma_wait3A_296 = arith.constant 0 : i32
          %dma_wait3A_297 = arith.constant 0 : i32
          %dma_wait3A_298 = tpu.memref_slice %arg6[%rem3A_277, %dma_wait3A_296, %dma_wait3A_297] : memref<8x128x32xf32, #tpu.memory_space<vmem>> -> memref<1x128x32xf32, #tpu.memory_space<vmem>>
          %dma_wait3A_299 = tpu.memref_squeeze %dma_wait3A_298 : memref<1x128x32xf32, #tpu.memory_space<vmem>> -> memref<128x32xf32, #tpu.memory_space<vmem>>
          %dma_wait3A_300 = arith.constant 0 : i32
          %dma_wait3A_301 = tpu.memref_slice %arg4[%mul3A_2, %dma_wait3A_300] : memref<819200x32xf32, #tpu.memory_space<hbm>> -> memref<128x32xf32, #tpu.memory_space<hbm>>
          %dma_wait3A_302 = tpu.memref_slice %arg8[%rem3A_277] : memref<8x!tpu.dma_semaphore, #tpu.memory_space<semaphore_mem>> -> memref<1x!tpu.dma_semaphore, #tpu.memory_space<semaphore_mem>>
          %dma_wait3A_303 = tpu.memref_squeeze %dma_wait3A_302 : memref<1x!tpu.dma_semaphore, #tpu.memory_space<semaphore_mem>> -> memref<!tpu.dma_semaphore, #tpu.memory_space<semaphore_mem>>
          %dma_wait3A_304 = arith.constant 0 : i32
          %dma_wait3A_305 = tpu.memref_slice %arg4[%mul3A_2, %dma_wait3A_304] : memref<819200x32xf32, #tpu.memory_space<hbm>> -> memref<128x32xf32, #tpu.memory_space<hbm>>
          %dma_wait3A_306 = arith.constant 0 : i32
          %dma_wait3A_307 = arith.constant 0 : i32
          %dma_wait3A_308 = tpu.memref_slice %arg6[%rem3A_277, %dma_wait3A_306, %dma_wait3A_307] : memref<8x128x32xf32, #tpu.memory_space<vmem>> -> memref<1x128x32xf32, #tpu.memory_space<vmem>>
          %dma_wait3A_309 = tpu.memref_squeeze %dma_wait3A_308 : memref<1x128x32xf32, #tpu.memory_space<vmem>> -> memref<128x32xf32, #tpu.memory_space<vmem>>
          tpu.wait_dma2 semaphore(%dma_wait3A_303 : memref<!tpu.dma_semaphore, #tpu.memory_space<semaphore_mem>>) src(%dma_wait3A_309 : memref<128x32xf32, #tpu.memory_space<vmem>>) dst(%dma_wait3A_305 : memref<128x32xf32, #tpu.memory_space<hbm>>)
        } else {
        }
        %dma_start3A_284 = arith.constant 0 : i32
        %dma_start3A_285 = arith.constant 0 : i32
        %dma_start3A_286 = tpu.memref_slice %arg6[%rem3A_277, %dma_start3A_284, %dma_start3A_285] : memref<8x128x32xf32, #tpu.memory_space<vmem>> -> memref<1x128x32xf32, #tpu.memory_space<vmem>>
        %dma_start3A_287 = tpu.memref_squeeze %dma_start3A_286 : memref<1x128x32xf32, #tpu.memory_space<vmem>> -> memref<128x32xf32, #tpu.memory_space<vmem>>
        %dma_start3A_288 = arith.constant 0 : i32
        %dma_start3A_289 = tpu.memref_slice %arg5[%sub3A_275, %dma_start3A_288] : memref<200x128xi32, #tpu.memory_space<vmem>> -> memref<1x128xi32, #tpu.memory_space<vmem>>
        %dma_start3A_290 = tpu.memref_squeeze %dma_start3A_289 : memref<1x128xi32, #tpu.memory_space<vmem>> -> memref<128xi32, #tpu.memory_space<vmem>>
        %dma_start3A_291 = arith.constant 0 : i32
        %dma_start3A_292 = arith.constant 0 : i32
        %dma_start3A_293 = tpu.memref_slice %arg3[%dma_start3A_291, %dma_start3A_292] : memref<1000000x32xf32, #tpu.memory_space<hbm>> -> memref<1000000x32xf32, #tpu.memory_space<hbm>>
        %dma_start3A_294 = tpu.memref_slice %arg7[%rem3A_277] : memref<8x!tpu.dma_semaphore, #tpu.memory_space<semaphore_mem>> -> memref<1x!tpu.dma_semaphore, #tpu.memory_space<semaphore_mem>>
        %dma_start3A_295 = tpu.memref_squeeze %dma_start3A_294 : memref<1x!tpu.dma_semaphore, #tpu.memory_space<semaphore_mem>> -> memref<!tpu.dma_semaphore, #tpu.memory_space<semaphore_mem>>
        tpu.enqueue_indirect_dma source(%dma_start3A_293 : memref<1000000x32xf32, #tpu.memory_space<hbm>>) target(%dma_start3A_287 : memref<128x32xf32, #tpu.memory_space<vmem>>) offsets(%dma_start3A_290 : memref<128xi32, #tpu.memory_space<vmem>>) semaphore(%dma_start3A_295 : memref<!tpu.dma_semaphore, #tpu.memory_space<semaphore_mem>>)
      } else {
      }
    }
    %scan3A_110 = arith.constant 200 : i32
    %dma_wait3A = arith.constant 0 : i32
    %dma_wait3A_111 = arith.constant 0 : i32
    %dma_wait3A_112 = arith.constant 0 : i32
    %dma_wait3A_113 = arith.constant 0 : i32
    %dma_wait3A_114 = tpu.memref_slice %arg6[%dma_wait3A, %dma_wait3A_112, %dma_wait3A_113] : memref<8x128x32xf32, #tpu.memory_space<vmem>> -> memref<1x128x32xf32, #tpu.memory_space<vmem>>
    %dma_wait3A_115 = tpu.memref_squeeze %dma_wait3A_114 : memref<1x128x32xf32, #tpu.memory_space<vmem>> -> memref<128x32xf32, #tpu.memory_space<vmem>>
    %dma_wait3A_116 = arith.constant 0 : i32
    %dma_wait3A_117 = tpu.memref_slice %arg4[%mul3A_2, %dma_wait3A_116] : memref<819200x32xf32, #tpu.memory_space<hbm>> -> memref<128x32xf32, #tpu.memory_space<hbm>>
    %dma_wait3A_118 = tpu.memref_slice %arg8[%dma_wait3A_111] : memref<8x!tpu.dma_semaphore, #tpu.memory_space<semaphore_mem>> -> memref<1x!tpu.dma_semaphore, #tpu.memory_space<semaphore_mem>>
    %dma_wait3A_119 = tpu.memref_squeeze %dma_wait3A_118 : memref<1x!tpu.dma_semaphore, #tpu.memory_space<semaphore_mem>> -> memref<!tpu.dma_semaphore, #tpu.memory_space<semaphore_mem>>
    %dma_wait3A_120 = arith.constant 0 : i32
    %dma_wait3A_121 = tpu.memref_slice %arg4[%mul3A_2, %dma_wait3A_120] : memref<819200x32xf32, #tpu.memory_space<hbm>> -> memref<128x32xf32, #tpu.memory_space<hbm>>
    %dma_wait3A_122 = arith.constant 0 : i32
    %dma_wait3A_123 = arith.constant 0 : i32
    %dma_wait3A_124 = tpu.memref_slice %arg6[%dma_wait3A, %dma_wait3A_122, %dma_wait3A_123] : memref<8x128x32xf32, #tpu.memory_space<vmem>> -> memref<1x128x32xf32, #tpu.memory_space<vmem>>
    %dma_wait3A_125 = tpu.memref_squeeze %dma_wait3A_124 : memref<1x128x32xf32, #tpu.memory_space<vmem>> -> memref<128x32xf32, #tpu.memory_space<vmem>>
    tpu.wait_dma2 semaphore(%dma_wait3A_119 : memref<!tpu.dma_semaphore, #tpu.memory_space<semaphore_mem>>) src(%dma_wait3A_125 : memref<128x32xf32, #tpu.memory_space<vmem>>) dst(%dma_wait3A_121 : memref<128x32xf32, #tpu.memory_space<hbm>>)
    %dma_wait3A_126 = arith.constant 1 : i32
    %dma_wait3A_127 = arith.constant 1 : i32
    %dma_wait3A_128 = arith.constant 0 : i32
    %dma_wait3A_129 = arith.constant 0 : i32
    %dma_wait3A_130 = tpu.memref_slice %arg6[%dma_wait3A_126, %dma_wait3A_128, %dma_wait3A_129] : memref<8x128x32xf32, #tpu.memory_space<vmem>> -> memref<1x128x32xf32, #tpu.memory_space<vmem>>
    %dma_wait3A_131 = tpu.memref_squeeze %dma_wait3A_130 : memref<1x128x32xf32, #tpu.memory_space<vmem>> -> memref<128x32xf32, #tpu.memory_space<vmem>>
    %dma_wait3A_132 = arith.constant 0 : i32
    %dma_wait3A_133 = tpu.memref_slice %arg4[%mul3A_2, %dma_wait3A_132] : memref<819200x32xf32, #tpu.memory_space<hbm>> -> memref<128x32xf32, #tpu.memory_space<hbm>>
    %dma_wait3A_134 = tpu.memref_slice %arg8[%dma_wait3A_127] : memref<8x!tpu.dma_semaphore, #tpu.memory_space<semaphore_mem>> -> memref<1x!tpu.dma_semaphore, #tpu.memory_space<semaphore_mem>>
    %dma_wait3A_135 = tpu.memref_squeeze %dma_wait3A_134 : memref<1x!tpu.dma_semaphore, #tpu.memory_space<semaphore_mem>> -> memref<!tpu.dma_semaphore, #tpu.memory_space<semaphore_mem>>
    %dma_wait3A_136 = arith.constant 0 : i32
    %dma_wait3A_137 = tpu.memref_slice %arg4[%mul3A_2, %dma_wait3A_136] : memref<819200x32xf32, #tpu.memory_space<hbm>> -> memref<128x32xf32, #tpu.memory_space<hbm>>
    %dma_wait3A_138 = arith.constant 0 : i32
    %dma_wait3A_139 = arith.constant 0 : i32
    %dma_wait3A_140 = tpu.memref_slice %arg6[%dma_wait3A_126, %dma_wait3A_138, %dma_wait3A_139] : memref<8x128x32xf32, #tpu.memory_space<vmem>> -> memref<1x128x32xf32, #tpu.memory_space<vmem>>
    %dma_wait3A_141 = tpu.memref_squeeze %dma_wait3A_140 : memref<1x128x32xf32, #tpu.memory_space<vmem>> -> memref<128x32xf32, #tpu.memory_space<vmem>>
    tpu.wait_dma2 semaphore(%dma_wait3A_135 : memref<!tpu.dma_semaphore, #tpu.memory_space<semaphore_mem>>) src(%dma_wait3A_141 : memref<128x32xf32, #tpu.memory_space<vmem>>) dst(%dma_wait3A_137 : memref<128x32xf32, #tpu.memory_space<hbm>>)
    %dma_wait3A_142 = arith.constant 2 : i32
    %dma_wait3A_143 = arith.constant 2 : i32
    %dma_wait3A_144 = arith.constant 0 : i32
    %dma_wait3A_145 = arith.constant 0 : i32
    %dma_wait3A_146 = tpu.memref_slice %arg6[%dma_wait3A_142, %dma_wait3A_144, %dma_wait3A_145] : memref<8x128x32xf32, #tpu.memory_space<vmem>> -> memref<1x128x32xf32, #tpu.memory_space<vmem>>
    %dma_wait3A_147 = tpu.memref_squeeze %dma_wait3A_146 : memref<1x128x32xf32, #tpu.memory_space<vmem>> -> memref<128x32xf32, #tpu.memory_space<vmem>>
    %dma_wait3A_148 = arith.constant 0 : i32
    %dma_wait3A_149 = tpu.memref_slice %arg4[%mul3A_2, %dma_wait3A_148] : memref<819200x32xf32, #tpu.memory_space<hbm>> -> memref<128x32xf32, #tpu.memory_space<hbm>>
    %dma_wait3A_150 = tpu.memref_slice %arg8[%dma_wait3A_143] : memref<8x!tpu.dma_semaphore, #tpu.memory_space<semaphore_mem>> -> memref<1x!tpu.dma_semaphore, #tpu.memory_space<semaphore_mem>>
    %dma_wait3A_151 = tpu.memref_squeeze %dma_wait3A_150 : memref<1x!tpu.dma_semaphore, #tpu.memory_space<semaphore_mem>> -> memref<!tpu.dma_semaphore, #tpu.memory_space<semaphore_mem>>
    %dma_wait3A_152 = arith.constant 0 : i32
    %dma_wait3A_153 = tpu.memref_slice %arg4[%mul3A_2, %dma_wait3A_152] : memref<819200x32xf32, #tpu.memory_space<hbm>> -> memref<128x32xf32, #tpu.memory_space<hbm>>
    %dma_wait3A_154 = arith.constant 0 : i32
    %dma_wait3A_155 = arith.constant 0 : i32
    %dma_wait3A_156 = tpu.memref_slice %arg6[%dma_wait3A_142, %dma_wait3A_154, %dma_wait3A_155] : memref<8x128x32xf32, #tpu.memory_space<vmem>> -> memref<1x128x32xf32, #tpu.memory_space<vmem>>
    %dma_wait3A_157 = tpu.memref_squeeze %dma_wait3A_156 : memref<1x128x32xf32, #tpu.memory_space<vmem>> -> memref<128x32xf32, #tpu.memory_space<vmem>>
    tpu.wait_dma2 semaphore(%dma_wait3A_151 : memref<!tpu.dma_semaphore, #tpu.memory_space<semaphore_mem>>) src(%dma_wait3A_157 : memref<128x32xf32, #tpu.memory_space<vmem>>) dst(%dma_wait3A_153 : memref<128x32xf32, #tpu.memory_space<hbm>>)
    %dma_wait3A_158 = arith.constant 3 : i32
    %dma_wait3A_159 = arith.constant 3 : i32
    %dma_wait3A_160 = arith.constant 0 : i32
    %dma_wait3A_161 = arith.constant 0 : i32
    %dma_wait3A_162 = tpu.memref_slice %arg6[%dma_wait3A_158, %dma_wait3A_160, %dma_wait3A_161] : memref<8x128x32xf32, #tpu.memory_space<vmem>> -> memref<1x128x32xf32, #tpu.memory_space<vmem>>
    %dma_wait3A_163 = tpu.memref_squeeze %dma_wait3A_162 : memref<1x128x32xf32, #tpu.memory_space<vmem>> -> memref<128x32xf32, #tpu.memory_space<vmem>>
    %dma_wait3A_164 = arith.constant 0 : i32
    %dma_wait3A_165 = tpu.memref_slice %arg4[%mul3A_2, %dma_wait3A_164] : memref<819200x32xf32, #tpu.memory_space<hbm>> -> memref<128x32xf32, #tpu.memory_space<hbm>>
    %dma_wait3A_166 = tpu.memref_slice %arg8[%dma_wait3A_159] : memref<8x!tpu.dma_semaphore, #tpu.memory_space<semaphore_mem>> -> memref<1x!tpu.dma_semaphore, #tpu.memory_space<semaphore_mem>>
    %dma_wait3A_167 = tpu.memref_squeeze %dma_wait3A_166 : memref<1x!tpu.dma_semaphore, #tpu.memory_space<semaphore_mem>> -> memref<!tpu.dma_semaphore, #tpu.memory_space<semaphore_mem>>
    %dma_wait3A_168 = arith.constant 0 : i32
    %dma_wait3A_169 = tpu.memref_slice %arg4[%mul3A_2, %dma_wait3A_168] : memref<819200x32xf32, #tpu.memory_space<hbm>> -> memref<128x32xf32, #tpu.memory_space<hbm>>
    %dma_wait3A_170 = arith.constant 0 : i32
    %dma_wait3A_171 = arith.constant 0 : i32
    %dma_wait3A_172 = tpu.memref_slice %arg6[%dma_wait3A_158, %dma_wait3A_170, %dma_wait3A_171] : memref<8x128x32xf32, #tpu.memory_space<vmem>> -> memref<1x128x32xf32, #tpu.memory_space<vmem>>
    %dma_wait3A_173 = tpu.memref_squeeze %dma_wait3A_172 : memref<1x128x32xf32, #tpu.memory_space<vmem>> -> memref<128x32xf32, #tpu.memory_space<vmem>>
    tpu.wait_dma2 semaphore(%dma_wait3A_167 : memref<!tpu.dma_semaphore, #tpu.memory_space<semaphore_mem>>) src(%dma_wait3A_173 : memref<128x32xf32, #tpu.memory_space<vmem>>) dst(%dma_wait3A_169 : memref<128x32xf32, #tpu.memory_space<hbm>>)
    %dma_wait3A_174 = arith.constant 4 : i32
    %dma_wait3A_175 = arith.constant 4 : i32
    %dma_wait3A_176 = arith.constant 0 : i32
    %dma_wait3A_177 = arith.constant 0 : i32
    %dma_wait3A_178 = tpu.memref_slice %arg6[%dma_wait3A_174, %dma_wait3A_176, %dma_wait3A_177] : memref<8x128x32xf32, #tpu.memory_space<vmem>> -> memref<1x128x32xf32, #tpu.memory_space<vmem>>
    %dma_wait3A_179 = tpu.memref_squeeze %dma_wait3A_178 : memref<1x128x32xf32, #tpu.memory_space<vmem>> -> memref<128x32xf32, #tpu.memory_space<vmem>>
    %dma_wait3A_180 = arith.constant 0 : i32
    %dma_wait3A_181 = tpu.memref_slice %arg4[%mul3A_2, %dma_wait3A_180] : memref<819200x32xf32, #tpu.memory_space<hbm>> -> memref<128x32xf32, #tpu.memory_space<hbm>>
    %dma_wait3A_182 = tpu.memref_slice %arg8[%dma_wait3A_175] : memref<8x!tpu.dma_semaphore, #tpu.memory_space<semaphore_mem>> -> memref<1x!tpu.dma_semaphore, #tpu.memory_space<semaphore_mem>>
    %dma_wait3A_183 = tpu.memref_squeeze %dma_wait3A_182 : memref<1x!tpu.dma_semaphore, #tpu.memory_space<semaphore_mem>> -> memref<!tpu.dma_semaphore, #tpu.memory_space<semaphore_mem>>
    %dma_wait3A_184 = arith.constant 0 : i32
    %dma_wait3A_185 = tpu.memref_slice %arg4[%mul3A_2, %dma_wait3A_184] : memref<819200x32xf32, #tpu.memory_space<hbm>> -> memref<128x32xf32, #tpu.memory_space<hbm>>
    %dma_wait3A_186 = arith.constant 0 : i32
    %dma_wait3A_187 = arith.constant 0 : i32
    %dma_wait3A_188 = tpu.memref_slice %arg6[%dma_wait3A_174, %dma_wait3A_186, %dma_wait3A_187] : memref<8x128x32xf32, #tpu.memory_space<vmem>> -> memref<1x128x32xf32, #tpu.memory_space<vmem>>
    %dma_wait3A_189 = tpu.memref_squeeze %dma_wait3A_188 : memref<1x128x32xf32, #tpu.memory_space<vmem>> -> memref<128x32xf32, #tpu.memory_space<vmem>>
    tpu.wait_dma2 semaphore(%dma_wait3A_183 : memref<!tpu.dma_semaphore, #tpu.memory_space<semaphore_mem>>) src(%dma_wait3A_189 : memref<128x32xf32, #tpu.memory_space<vmem>>) dst(%dma_wait3A_185 : memref<128x32xf32, #tpu.memory_space<hbm>>)
    %dma_wait3A_190 = arith.constant 5 : i32
    %dma_wait3A_191 = arith.constant 5 : i32
    %dma_wait3A_192 = arith.constant 0 : i32
    %dma_wait3A_193 = arith.constant 0 : i32
    %dma_wait3A_194 = tpu.memref_slice %arg6[%dma_wait3A_190, %dma_wait3A_192, %dma_wait3A_193] : memref<8x128x32xf32, #tpu.memory_space<vmem>> -> memref<1x128x32xf32, #tpu.memory_space<vmem>>
    %dma_wait3A_195 = tpu.memref_squeeze %dma_wait3A_194 : memref<1x128x32xf32, #tpu.memory_space<vmem>> -> memref<128x32xf32, #tpu.memory_space<vmem>>
    %dma_wait3A_196 = arith.constant 0 : i32
    %dma_wait3A_197 = tpu.memref_slice %arg4[%mul3A_2, %dma_wait3A_196] : memref<819200x32xf32, #tpu.memory_space<hbm>> -> memref<128x32xf32, #tpu.memory_space<hbm>>
    %dma_wait3A_198 = tpu.memref_slice %arg8[%dma_wait3A_191] : memref<8x!tpu.dma_semaphore, #tpu.memory_space<semaphore_mem>> -> memref<1x!tpu.dma_semaphore, #tpu.memory_space<semaphore_mem>>
    %dma_wait3A_199 = tpu.memref_squeeze %dma_wait3A_198 : memref<1x!tpu.dma_semaphore, #tpu.memory_space<semaphore_mem>> -> memref<!tpu.dma_semaphore, #tpu.memory_space<semaphore_mem>>
    %dma_wait3A_200 = arith.constant 0 : i32
    %dma_wait3A_201 = tpu.memref_slice %arg4[%mul3A_2, %dma_wait3A_200] : memref<819200x32xf32, #tpu.memory_space<hbm>> -> memref<128x32xf32, #tpu.memory_space<hbm>>
    %dma_wait3A_202 = arith.constant 0 : i32
    %dma_wait3A_203 = arith.constant 0 : i32
    %dma_wait3A_204 = tpu.memref_slice %arg6[%dma_wait3A_190, %dma_wait3A_202, %dma_wait3A_203] : memref<8x128x32xf32, #tpu.memory_space<vmem>> -> memref<1x128x32xf32, #tpu.memory_space<vmem>>
    %dma_wait3A_205 = tpu.memref_squeeze %dma_wait3A_204 : memref<1x128x32xf32, #tpu.memory_space<vmem>> -> memref<128x32xf32, #tpu.memory_space<vmem>>
    tpu.wait_dma2 semaphore(%dma_wait3A_199 : memref<!tpu.dma_semaphore, #tpu.memory_space<semaphore_mem>>) src(%dma_wait3A_205 : memref<128x32xf32, #tpu.memory_space<vmem>>) dst(%dma_wait3A_201 : memref<128x32xf32, #tpu.memory_space<hbm>>)
    %dma_wait3A_206 = arith.constant 6 : i32
    %dma_wait3A_207 = arith.constant 6 : i32
    %dma_wait3A_208 = arith.constant 0 : i32
    %dma_wait3A_209 = arith.constant 0 : i32
    %dma_wait3A_210 = tpu.memref_slice %arg6[%dma_wait3A_206, %dma_wait3A_208, %dma_wait3A_209] : memref<8x128x32xf32, #tpu.memory_space<vmem>> -> memref<1x128x32xf32, #tpu.memory_space<vmem>>
    %dma_wait3A_211 = tpu.memref_squeeze %dma_wait3A_210 : memref<1x128x32xf32, #tpu.memory_space<vmem>> -> memref<128x32xf32, #tpu.memory_space<vmem>>
    %dma_wait3A_212 = arith.constant 0 : i32
    %dma_wait3A_213 = tpu.memref_slice %arg4[%mul3A_2, %dma_wait3A_212] : memref<819200x32xf32, #tpu.memory_space<hbm>> -> memref<128x32xf32, #tpu.memory_space<hbm>>
    %dma_wait3A_214 = tpu.memref_slice %arg8[%dma_wait3A_207] : memref<8x!tpu.dma_semaphore, #tpu.memory_space<semaphore_mem>> -> memref<1x!tpu.dma_semaphore, #tpu.memory_space<semaphore_mem>>
    %dma_wait3A_215 = tpu.memref_squeeze %dma_wait3A_214 : memref<1x!tpu.dma_semaphore, #tpu.memory_space<semaphore_mem>> -> memref<!tpu.dma_semaphore, #tpu.memory_space<semaphore_mem>>
    %dma_wait3A_216 = arith.constant 0 : i32
    %dma_wait3A_217 = tpu.memref_slice %arg4[%mul3A_2, %dma_wait3A_216] : memref<819200x32xf32, #tpu.memory_space<hbm>> -> memref<128x32xf32, #tpu.memory_space<hbm>>
    %dma_wait3A_218 = arith.constant 0 : i32
    %dma_wait3A_219 = arith.constant 0 : i32
    %dma_wait3A_220 = tpu.memref_slice %arg6[%dma_wait3A_206, %dma_wait3A_218, %dma_wait3A_219] : memref<8x128x32xf32, #tpu.memory_space<vmem>> -> memref<1x128x32xf32, #tpu.memory_space<vmem>>
    %dma_wait3A_221 = tpu.memref_squeeze %dma_wait3A_220 : memref<1x128x32xf32, #tpu.memory_space<vmem>> -> memref<128x32xf32, #tpu.memory_space<vmem>>
    tpu.wait_dma2 semaphore(%dma_wait3A_215 : memref<!tpu.dma_semaphore, #tpu.memory_space<semaphore_mem>>) src(%dma_wait3A_221 : memref<128x32xf32, #tpu.memory_space<vmem>>) dst(%dma_wait3A_217 : memref<128x32xf32, #tpu.memory_space<hbm>>)
    %dma_wait3A_222 = arith.constant 7 : i32
    %dma_wait3A_223 = arith.constant 7 : i32
    %dma_wait3A_224 = arith.constant 0 : i32
    %dma_wait3A_225 = arith.constant 0 : i32
    %dma_wait3A_226 = tpu.memref_slice %arg6[%dma_wait3A_222, %dma_wait3A_224, %dma_wait3A_225] : memref<8x128x32xf32, #tpu.memory_space<vmem>> -> memref<1x128x32xf32, #tpu.memory_space<vmem>>
    %dma_wait3A_227 = tpu.memref_squeeze %dma_wait3A_226 : memref<1x128x32xf32, #tpu.memory_space<vmem>> -> memref<128x32xf32, #tpu.memory_space<vmem>>
    %dma_wait3A_228 = arith.constant 0 : i32
    %dma_wait3A_229 = tpu.memref_slice %arg4[%mul3A_2, %dma_wait3A_228] : memref<819200x32xf32, #tpu.memory_space<hbm>> -> memref<128x32xf32, #tpu.memory_space<hbm>>
    %dma_wait3A_230 = tpu.memref_slice %arg8[%dma_wait3A_223] : memref<8x!tpu.dma_semaphore, #tpu.memory_space<semaphore_mem>> -> memref<1x!tpu.dma_semaphore, #tpu.memory_space<semaphore_mem>>
    %dma_wait3A_231 = tpu.memref_squeeze %dma_wait3A_230 : memref<1x!tpu.dma_semaphore, #tpu.memory_space<semaphore_mem>> -> memref<!tpu.dma_semaphore, #tpu.memory_space<semaphore_mem>>
    %dma_wait3A_232 = arith.constant 0 : i32
    %dma_wait3A_233 = tpu.memref_slice %arg4[%mul3A_2, %dma_wait3A_232] : memref<819200x32xf32, #tpu.memory_space<hbm>> -> memref<128x32xf32, #tpu.memory_space<hbm>>
    %dma_wait3A_234 = arith.constant 0 : i32
    %dma_wait3A_235 = arith.constant 0 : i32
    %dma_wait3A_236 = tpu.memref_slice %arg6[%dma_wait3A_222, %dma_wait3A_234, %dma_wait3A_235] : memref<8x128x32xf32, #tpu.memory_space<vmem>> -> memref<1x128x32xf32, #tpu.memory_space<vmem>>
    %dma_wait3A_237 = tpu.memref_squeeze %dma_wait3A_236 : memref<1x128x32xf32, #tpu.memory_space<vmem>> -> memref<128x32xf32, #tpu.memory_space<vmem>>
    tpu.wait_dma2 semaphore(%dma_wait3A_231 : memref<!tpu.dma_semaphore, #tpu.memory_space<semaphore_mem>>) src(%dma_wait3A_237 : memref<128x32xf32, #tpu.memory_space<vmem>>) dst(%dma_wait3A_233 : memref<128x32xf32, #tpu.memory_space<hbm>>)
    return
  }
}

</mosaic_0001>

<sc_bundles>
// kernel: _lookup.3.cloned.1.call-start
scs
__scs_entry_jumppad:
0x0: {  	(pc) =	sbr.rel $0x88, $3  }
0x1: {  	(tag) =	ssettag $0x0;
	lr =	simm.s32 $0x1  }
0x2: {  	[smem:$0x3F9F] =	sst lr;
	_ =	strace $0xD0000000  }
0x3: {  	_ = 	snop  }
0x4: {  	_ = 	snop  }
0x5: {  	_ = 	snop  }
0x6: {  	_ = 	snop  }
0x7: {  	_ = 	snop  }
__scs_overlays_trampoline_lowered:
0x8: {  	[smem:$0x3FAE] =	sst s0  }
0x9: {  	[smem:$0x3FAF] =	sst s1  }
0xa: {  	[smem:$0x3FB0] =	sst s2  }
0xb: {  	[smem:$0x3FB1] =	sst s3  }
0xc: {  	[smem:$0x3FB2] =	sst s4  }
0xd: {  	[smem:$0x3FB3] =	sst s5  }
0xe: {  	[smem:$0x3FB4] =	sst s6  }
0xf: {  	[smem:$0x3FB5] =	sst s7  }
0x10: {  	[smem:$0x3FB6] =	sst s8  }
0x11: {  	[smem:$0x3FB7] =	sst s9;
	s0 =	simm.s32 @!p0 $0x0  }
0x12: {  	s1 =	sld [smem:$0x3F9D];
	s0 =	simm.s32 @p0 $0x1  }
0x13: {  	[smem:$0x3FB8] =	sst s0;
	s0 =	simm.s32 @!p1 $0x0  }
0x14: {  	s2 =	sld [smem:$0x3F9C];
	s0 =	simm.s32 @p1 $0x1  }
0x15: {  	[smem:$0x3FB9] =	sst s0;
	s0 =	simm.s32 @!p2 $0x0  }
0x16: {  	s3 =	sld [smem:$0x3FDB];
	s0 =	simm.s32 @p2 $0x1  }
0x17: {  	s4 =	simm.s32 $0x1BF5;
	[smem:$0x3FBB] =	sst s0  }
0x18: {  	s0 =	sld [smem:$0x3F9E];
	_ =	swait.ge [sflag:s4], $0x0  }
0x19: {  	s7 =	sld [smem:$0x3F9F]  }
0x1a: {  	s8 =	sadd.s32 $0xFFFFE003, lr  }
0x1b: {  	s9 =	sadd.s32 $0xFFFFFEF7, lr;
	s5 =	simm.s32 $0xFFFFFFFF;
	p2 =	slt.u32 s8, $0xFFFFF086  }
0x1c: {  	p1 =	slt.u32 s9, $0xF7A;
	s5 =	simm.s32 @!p2 $0x0  }
0x1d: {  	s5 =	simm.s32 @p1 $0x1;
	p0 =	seq.s32 s7, s2  }
0x1e: {  	s7 =	smul.u32 @!p0 $0xF7A, s2;
	p2 =	seq.s32 @!p0 s5, $0x0  }
0x1f: {  	s9 =	smul.u32 $0xF7A, s1;
	s8 =	simm.s32 @!p0 $0x1BF5;
	p2 =	por !p2, p0  }
0x20: {  	[sflag:s8] =	ssyncset.s32 @!p0 $0xFFFFF086;
	s6 =	sadd.s32 @!p0 s3, s7;
	s7 =	simm.s32 @!p0 $0x108  }
0x21: {  	s3 =	sadd.s32 s3, s9;
	s6 =	sadd.s32 @!p0 $0x88, s6;
	s7 =	simm.s32 @p2 $0x1082  }
0x22: {  	[simem:s7], [sflag:s8] =	dma.local @!p0 [hbm:s6], $0xF7A  }
0x23: {  	s9 =	sor.u32 $0xD0000000, s2;
	s6 =	simm.s32 $0x108;
	_ =	swait.ge @!p0 [sflag:s8], $0x0  }
0x24: {  	s3 =	sadd.s32 $0x88, s3;
	s6 =	simm.s32 @!p1 $0x1082;
	[sflag:s4] =	ssyncset.s32 $0xFFFFF086  }
0x25: {  	[simem:s6], [sflag:s4] =	dma.local [hbm:s3], $0xF7A  }
0x26: {  	[smem:$0x3F9F] =	sst s1;
	(tag) =	ssettag s2;
	_ =	strace s9  }
0x27: {  	s1 =	sld [smem:$0x3FAF]  }
0x28: {  	s2 =	sld [smem:$0x3FB0]  }
0x29: {  	s4 =	sld [smem:$0x3FB2]  }
0x2a: {  	p0 =	seq.s32 s5, $0x0;
	s5 =	sld [smem:$0x3FB3]  }
0x2b: {  	s6 =	sld [smem:$0x3FB4]  }
0x2c: {  	s7 =	sld [smem:$0x3FB5]  }
0x2d: {  	s3 =	simm.s32 $0x108;
	s8 =	sld [smem:$0x3FB6]  }
0x2e: {  	s3 =	simm.s32 @!p0 $0x1082;
	s9 =	sld [smem:$0x3FB7]  }
0x2f: {  	lr =	sadd.s32 s0, s3;
	s0 =	sld [smem:$0x3FAE]  }
0x30: {  	s3 =	sld [smem:$0x3FB1]  }
0x31: {  	[smem:$0x3FBA] =	sst s10  }
0x32: {  	s10 =	sld [smem:$0x3FB8];
	_ =	sdelay $0x3  }
0x33: {  	p0 =	seq.s32 s10, $0x1;
	s10 =	sld [smem:$0x3FBA];
	_ =	sdelay $0x3  }
0x34: {  	[smem:$0x3FBA] =	sst s10  }
0x35: {  	s10 =	sld [smem:$0x3FB9];
	_ =	sdelay $0x3  }
0x36: {  	p1 =	seq.s32 s10, $0x1;
	s10 =	sld [smem:$0x3FBA];
	_ =	sdelay $0x3  }
0x37: {  	[smem:$0x3FBA] =	sst s10  }
0x38: {  	s10 =	sld [smem:$0x3FBB]  }
0x39: {  	_ = 	snop;
	(pc) =	sbr.ind lr, $3  }
0x3a: {  	_ = 	snop  }
0x3b: {  	_ = 	snop  }
0x3c: {  	p2 =	seq.s32 s10, $0x1;
	s10 =	sld [smem:$0x3FBA]  }
0x3d: {  	_ =	shalt  }
0x3e: {  	_ =	shalt  }
0x3f: {  	_ =	shalt  }
0x40: {  	_ =	shalt  }
0x41: {  	_ =	shalt  }
0x42: {  	_ =	shalt  }
0x43: {  	_ =	shalt  }
0x44: {  	_ =	shalt  }
0x45: {  	_ =	shalt  }
0x46: {  	_ =	shalt  }
0x47: {  	_ =	shalt  }
0x48: {  	_ =	shalt  }
0x49: {  	_ =	shalt  }
0x4a: {  	_ =	shalt  }
0x4b: {  	_ =	shalt  }
0x4c: {  	_ =	shalt  }
0x4d: {  	_ =	shalt  }
0x4e: {  	_ =	shalt  }
0x4f: {  	_ =	shalt  }
0x50: {  	_ =	shalt  }
0x51: {  	_ =	shalt  }
0x52: {  	_ =	shalt  }
0x53: {  	_ =	shalt  }
0x54: {  	_ =	shalt  }
0x55: {  	_ =	shalt  }
0x56: {  	_ =	shalt  }
0x57: {  	_ =	shalt  }
0x58: {  	_ =	shalt  }
0x59: {  	_ =	shalt  }
0x5a: {  	_ =	shalt  }
0x5b: {  	_ =	shalt  }
0x5c: {  	_ =	shalt  }
0x5d: {  	_ =	shalt  }
0x5e: {  	_ =	shalt  }
0x5f: {  	_ =	shalt  }
0x60: {  	_ =	shalt  }
0x61: {  	_ =	shalt  }
0x62: {  	_ =	shalt  }
0x63: {  	_ =	shalt  }
0x64: {  	_ =	shalt  }
0x65: {  	_ =	shalt  }
0x66: {  	_ =	shalt  }
0x67: {  	_ =	shalt  }
0x68: {  	_ =	shalt  }
0x69: {  	_ =	shalt  }
0x6a: {  	_ =	shalt  }
0x6b: {  	_ =	shalt  }
0x6c: {  	_ =	shalt  }
0x6d: {  	_ =	shalt  }
0x6e: {  	_ =	shalt  }
0x6f: {  	_ =	shalt  }
0x70: {  	_ =	shalt  }
0x71: {  	_ =	shalt  }
0x72: {  	_ =	shalt  }
0x73: {  	_ =	shalt  }
0x74: {  	_ =	shalt  }
0x75: {  	_ =	shalt  }
0x76: {  	_ =	shalt  }
0x77: {  	_ =	shalt  }
0x78: {  	_ =	shalt  }
0x79: {  	_ =	shalt  }
0x7a: {  	_ =	shalt  }
0x7b: {  	_ =	shalt  }
0x7c: {  	_ =	shalt  }
0x7d: {  	_ =	shalt  }
0x7e: {  	_ =	shalt  }
0x7f: {  	_ =	shalt  }
0x80: {  	_ =	shalt  }
0x81: {  	_ =	shalt  }
0x82: {  	_ =	shalt  }
0x83: {  	_ =	shalt  }
0x84: {  	_ =	shalt  }
0x85: {  	_ =	shalt  }
0x86: {  	_ =	shalt  }
0x87: {  	_ =	shalt  }
.Lfunc_end0:
.L_simem_size_0:
called_computation.1_lowered:
.L_overlay_start_0:
0x88: {  	s2 =	sld [smem:$0x3FD9]  }
0x89: {  	s3 =	sld [smem:$0x3FFE];
	_ =	sdelay $0x1  }
0x8a: {  	s1 =	srdreg.scid  }
0x8b: {  	s0 =	sand.u32 $0x1, s1  }
0x8c: {  	s17 =	sshll.u32 s0, $0xA;
	s2 =	sadd.s32 s3, s2  }
0x8d: {  	s2 =	sadd.s32 s2, s17  }
0x8e: {  	[smem:$0x3FC6] =	sst s2  }
0x8f: {  	_ = 	snop  }
0x90: {  	s2 =	sld [smem:$0x3FC9]  }
0x91: {  	s18 =	sld [smem:$0x3FD0];
	(tm) =	ssettm $0x1  }
0x92: {  	s4 =	sld [smem:$0x3FFB];
	_ =	sdelay $0x3  }
0x93: {  	_ =	strace s4  }
0x94: {  	s4 =	sld [smem:$0x3FFC];
	_ =	sdelay $0x3  }
0x95: {  	_ =	strace s4  }
0x96: {  	s4 =	sld [smem:$0x3FFD];
	_ =	sdelay $0x3  }
0x97: {  	_ =	strace s4  }
0x98: {  	_ =	strace $0x8FFFFFFF  }
0x99: {  	s19 =	sld [smem:$0x3FDB];
	_ =	sdelay $0x1  }
0x9a: {  	s5 =	simm.s32 $_scs_section_size  }
0x9b: {  	s6 =	simm.s32 $_size__tile_overlayer_lowered;
	s7 =	simm.s32 $_tile_overlayer_lowered  }
0x9c: {  	s22 =	simm.s32 $0x1BFF;
	s21 =	sshll.u32 s7, $0x1;
	s4 =	sadd.s32 s5, s19  }
0x9d: {  	s8 =	simm.s32 $0x0;
	s20 =	sshll.u32 s6, $0x1;
	s6 =	sadd.s32 s21, s4  }
0x9e: {  	[timem:s8], [sflag:s22] =	dma.local [hbm:s6], s20  }
0x9f: {  	_ =	swait.ge [sflag:s22], s20  }
0xa0: {  	s5 =	ssub.s32 $0x0, s20;
	[sflag:s22] =	ssyncset.done $0x0  }
0xa1: {  	[sflag:s22] =	ssyncadd.s32 s5;
	_ =	sdelay $0x1  }
0xa2: {  	s23 =	simm.s32 $0x1B8B  }
0xa3: {  	_ =	swait.ge [sflag:s23], $0x1  }
0xa4: {  	[sflag:s23] =	ssyncset.done $0x0  }
0xa5: {  	s25 =	simm.s32 $0x1B8E;
	s24 =	sld [smem:$0x3FFE];
	[sflag:s23] =	ssyncadd.s32 $0xFFFFFFFF  }
0xa6: {  	s26 =	simm.s32 $execute0_lowered;
	[smem:$0x3FD2] =	sst s25  }
0xa7: {  	s6 =	sshll.u32 s26, $0x1;
	_ =	strace $0x80000046;
	[dreg:$0x1] =	wrdreg $0xFFFFFFFF  }
0xa8: {  	s28 =	simm.s32 $_size_execute0_lowered;
	s4 =	sadd.s32 s4, s6;
	[dreg:$0x0] =	wrdreg $0x0  }
0xa9: {  	s6 =	sshll.u32 s28, $0x1;
	[dreg:$0x2] =	wrdreg s4  }
0xaa: {  	[dreg:$0x3] =	wrdreg s6  }
0xab: {  	[dreg:$0x4] =	wrdreg $0xC0  }
0xac: {  	_ =	task [dreg:s8], $0x5FFFF  }
0xad: {  	[dreg:$0x1] =	wrdreg $0xFFFFFFFF  }
0xae: {  	[dreg:$0x0] =	wrdreg $0x60  }
0xaf: {  	[dreg:$0x2] =	wrdreg s2  }
0xb0: {  	[dreg:$0x3] =	wrdreg s24  }
0xb1: {  	[dreg:$0x4] =	wrdreg s18  }
0xb2: {  	[dreg:$0x5] =	wrdreg $0x9  }
0xb3: {  	_ =	task.clear_ibuf [dreg:s8], $0x6FFFF;
	_ =	strace $0x90000046  }
0xb4: {  	s29 =	simm.s32 $0x9;
	_ =	strace $0x80000048  }
0xb5: {  	_ =	swait.ge [sflag:s29], $0x1  }
0xb6: {  	[sflag:s29] =	ssyncadd.s32 $0xFFFFFFFF  }
0xb7: {  	_ =	strace $0x90000048  }
0xb8: {  	_ =	sfence  }
0xb9: {  	s30 =	sld [smem:$0x0];
	_ =	sdelay $0x2  }
0xba: {  	s31 =	sshll.u32 s1, $0xD;
	s1 =	sshrl.u32 s1, $0x2  }
0xbb: {  	s3 =	sand.u32 $0x4000, s31;
	s1 =	sadd.s32 s1, s30  }
0xbc: {  	s0 =	sor.u32 s3, s0;
	s1 =	sshll.u32 s1, $0x11  }
0xbd: {  	s0 =	sor.u32 s1, s0  }
0xbe: {  	s0 =	sadd.s32 $0x8F2B, s0  }
0xbf: {  	[sflag:s0] =	ssyncadd.remote.s32 $0x1  }
0xc0: {  	_ =	sfence.sel $0xFFFF  }
0xc1: {  	[dreg:$0x0] =	wrdreg $0xFFFFFFFF;
	(pc) =	sbr.abs _section_cstart, $3  }
0xc2: {  	[dreg:$0x1] =	wrdreg $0xFFFFFFFF  }
0xc3: {  	_ =	task.clear_ibuf [dreg:s8], $0x2FFFF;
	_ =	strace $0x9FFFFFFF  }
0xc4: {  	(tm) =	ssettm $0x7FFFFFFF  }
0xc5: {  	_ =	shalt  }
tec
execute0_lowered:
.L_overlay_start_1:
0x0: {  	(tag) =	ssettag $0x1  }
0x1: {  	s0 =	srdreg.scid;
	s1 =	rddreg [dreg:$0x0]  }
0x2: {  	s6 =	stileid.u32;
	s3 =	rddreg [dreg:$0x1]  }
0x3: {  	s7 =	rddreg [dreg:$0x2];
	s21 =	simm.s32 $0xC400;
	s22 =	simm.s32 $0x1  }
0x4: {  	s23 =	simm.s32 $0x380;
	s24 =	simm.s32 $0xD400;
	s25 =	simm.s32 $0x9  }
0x5: {  	s28 =	simm.s32 $0xB;
	s29 =	simm.s32 $0xC;
	s30 =	simm.s32 $0xD  }
0x6: {  	s31 =	simm.s32 $0xE;
	s0 =	sand.u32 $0x1, s0;
	s2 =	sshll.u32 s6, $0x1  }
0x7: {  	s11 =	simm.s32 $0x0;
	s6 =	smul.u32 $0x190000, s6;
	s4 =	sor.u32 s0, s2  }
0x8: {  	s2 =	simm.s32 $0x0;
	s8 =	ssub.s32 $0x2, s0;
	s0 =	smul.u32 $0xC8000, s0  }
0x9: {  	s3 =	sadd.s32 $0xF42C00, s3;
	s5 =	smul.u32 $0xC80, s4;
	[smem:$0x7FF] =	sst s2  }
0xa: {  	s9 =	sshrl.u32 s8, $0x1;
	s10 =	smul.u32 $0xC8000, s4;
	_ =	strace $0x80000047  }
0xb: {  	s8 =	ssub.s32 s8, s9;
	s0 =	sadd.s32 s0, s6;
	s9 =	simm.s32 $0x80  }
0xc: {  	s4 =	sadd.s32 s1, s5;
	s26 =	sshrl.u32 s10, $0x3;
	s0 =	sor.u32 $0x1000, s0  }
0xd: {  	s5 =	smax.u32 s8, $0x1;
	s8 =	simm.s32 $0x11;
	s10 =	simm.s32 $0x6400  }
0xe: {  	s1 =	simm.s32 $0xF;
	s6 =	sadd.s32 s7, s26;
	s0 =	sshrl.u32 s0, $0x3  }
0xf: {  	s26 =	simm.s32 $0xA;
	s7 =	sadd.s32 s0, s7;
	s0 =	simm.s32 $0x10  }
.LBB2_1:
0x10: {  	[tilespmem:s2], [sflag:$0x11] =	stream.linear.gather [hbm4b:s4+s2], $0x6400, $0x38;
	[tilespmem:$0xE400] =	vst v63  }
0x11: {  	_ =	swait.ge [sflag:s8], $0x6400  }
0x12: {  	[sflag:s8] =	ssyncset.done $0x0  }
0x13: {  	[sflag:s8] =	ssyncadd.s32 $0xFFFF9C00  }
0x14: {  	[tilespmem:s10], [sflag:$0x1] =	stream.indirect.gather [hbm4b:s3+s9], $0x20, s2, s9, $0xb8;
	[tilespmem:$0xE400] =	vst v63  }
0x15: {  	s12 =	simm.s32 $0x7400  }
0x16: {  	[tilespmem:s12], [sflag:$0x2] =	stream.indirect.gather [hbm4b:s3+s9], $0x20, s9, s9, $0xb8;
	[tilespmem:$0xE400] =	vst v63  }
0x17: {  	s20 =	simm.s32 $0x100;
	s13 =	simm.s32 $0x8400  }
0x18: {  	[tilespmem:s13], [sflag:$0x3] =	stream.indirect.gather [hbm4b:s3+s9], $0x20, s20, s9, $0xb8;
	[tilespmem:$0xE400] =	vst v63  }
0x19: {  	s14 =	simm.s32 $0x9400;
	s13 =	simm.s32 $0x180  }
0x1a: {  	[tilespmem:s14], [sflag:$0x4] =	stream.indirect.gather [hbm4b:s3+s9], $0x20, s13, s9, $0xb8;
	[tilespmem:$0xE400] =	vst v63  }
0x1b: {  	s15 =	simm.s32 $0x200;
	s16 =	simm.s32 $0xA400  }
0x1c: {  	[tilespmem:s16], [sflag:$0x5] =	stream.indirect.gather [hbm4b:s3+s9], $0x20, s15, s9, $0xb8;
	[tilespmem:$0xE400] =	vst v63  }
0x1d: {  	s17 =	simm.s32 $0x280;
	s18 =	simm.s32 $0xB400  }
0x1e: {  	[tilespmem:s18], [sflag:$0x6] =	stream.indirect.gather [hbm4b:s3+s9], $0x20, s17, s9, $0xb8;
	[tilespmem:$0xE400] =	vst v63  }
0x1f: {  	s19 =	simm.s32 $0x300  }
0x20: {  	[tilespmem:s21], [sflag:$0x7] =	stream.indirect.gather [hbm4b:s3+s9], $0x20, s19, s9, $0xb8;
	[tilespmem:$0xE400] =	vst v63  }
0x21: {  	_ =	swait.ge [sflag:s22], $0x1000  }
0x22: {  	s20 =	simm.s32 $0x1;
	[sflag:s22] =	ssyncset.done $0x0  }
0x23: {  	s14 =	sand.u32 $0x7, s20;
	[sflag:s22] =	ssyncadd.s32 $0xFFFFF000  }
0x24: {  	[hbm4b:s6+s2] =	stream.linear.scatter [tilespmem:s10], [sflag:$0x9], $0x1000, $0x38;
	[tilespmem:$0xE400] =	vst v63  }
0x25: {  	p0 =	por $0x0, $0x0;
	s12 =	simm.s32 $0x400;
	s16 =	sadd.s32 $0x1, s14  }
0x26: {  	[tilespmem:s24], [sflag:$0x8] =	stream.indirect.gather [hbm4b:s3+s9], $0x20, s23, s9, $0xb8;
	[tilespmem:$0xE400] =	vst v63  }
0x27: {  	s13 =	simm.s32 $0x9;
	s15 =	simm.s32 $0x8;
	_ =	swait.ge [sflag:s16], $0x1000  }
0x28: {  	s15 =	sand.u32 @!p0 $0x7, s15;
	s17 =	sshll.u32 s14, $0xC;
	[sflag:s16] =	ssyncset.done $0x0  }
0x29: {  	s14 =	sadd.s32 $0x9, s14;
	s17 =	sadd.s32 $0x6400, s17;
	[sflag:s16] =	ssyncadd.s32 $0xFFFFF000  }
0x2a: {  	[hbm4b:s7+s2] =	stream.linear.scatter [tilespmem:s17], [sflag:s14], $0x1000, $0x38;
	[tilespmem:$0xE400] =	vst v63  }
0x2b: {  	s19 =	simm.s32 @!p0 $0x80;
	s16 =	sadd.s32 @!p0 $0x1, s15;
	s17 =	sadd.s32 @!p0 $0x9, s15  }
0x2c: {  	s14 =	sshll.u32 @!p0 s15, $0xC;
	s15 =	sadd.s32 $0x200, s7;
	_ =	swait.ge @!p0 [sflag:s17], $0x1000  }
0x2d: {  	s18 =	sadd.s32 @!p0 $0x6400, s14;
	s14 =	simm.s32 $0x480;
	[sflag:s17] =	ssyncset.done @!p0 $0x0  }
.LBB2_2:
0x2e: {  	s20 =	sadd.s32 $0xFFFFFFF9, s13  }
0x2f: {  	[sflag:s17] =	ssyncadd.s32 @!p0 $0xFFFFF000;
	s17 =	smov.u32 s13;
	s13 =	sadd.s32 $0x1, s13  }
0x30: {  	[tilespmem:s18], [sflag:s16] =	stream.indirect.gather @!p0 [hbm4b:s3+s19], $0x20, s12, s19, $0xb8;
	[tilespmem:$0xE400] =	vst v63  }
0x31: {  	s16 =	sand.u32 $0x7, s20;
	p1 =	sne.s32 s13, $0xCF;
	s12 =	smov.u32 s14  }
0x32: {  	s18 =	sadd.s32 $0x1, s16;
	s19 =	sshll.u32 s16, $0xC  }
0x33: {  	p0 =	sgt.u32 s20, $0xC0;
	_ =	swait.ge [sflag:s18], $0x1000  }
0x34: {  	s16 =	sadd.s32 $0x9, s16;
	s19 =	sadd.s32 $0x6400, s19;
	[sflag:s18] =	ssyncset.done $0x0  }
.Ltmp0:
0x35: {  	[sflag:s18] =	ssyncadd.s32 $0xFFFFF000;
	s18 =	sand.u32 @!p0 $0x7, s17;
	(pc) =	sbr.rel @p1 .LBB2_2-.Ltmp0, $4  }
0x36: {  	[hbm4b:s15+s2] =	stream.linear.scatter [tilespmem:s19], [sflag:s16], $0x1000, $0x38;
	[tilespmem:$0xE400] =	vst v63  }
0x37: {  	s17 =	sadd.s32 @!p0 $0x9, s18;
	s19 =	sshll.u32 @!p0 s18, $0xC;
	s16 =	sadd.s32 @!p0 $0x1, s18  }
0x38: {  	s14 =	sadd.s32 $0x80, s14;
	s18 =	sadd.s32 @!p0 $0x6400, s19;
	_ =	swait.ge @!p0 [sflag:s17], $0x1000  }
0x39: {  	s15 =	sadd.s32 $0x200, s15;
	s19 =	simm.s32 @!p0 $0x80;
	[sflag:s17] =	ssyncset.done @!p0 $0x0  }
0x3a: {  	[sflag:s17] =	ssyncadd.s32 @!p0 $0xFFFFF000  }
0x3b: {  	[tilespmem:s18], [sflag:s16] =	stream.indirect.gather @!p0 [hbm4b:s3+s19], $0x20, s12, s19, $0xb8;
	[tilespmem:$0xE400] =	vst v63  }
0x3c: {  	_ =	swait.ge [sflag:s25], $0x1000  }
0x3d: {  	[sflag:s25] =	ssyncset.done $0x0  }
0x3e: {  	[sflag:s25] =	ssyncadd.s32 $0xFFFFF000  }
0x3f: {  	_ =	swait.ge [sflag:s26], $0x1000  }
0x40: {  	[sflag:s26] =	ssyncset.done $0x0  }
0x41: {  	[sflag:s26] =	ssyncadd.s32 $0xFFFFF000  }
0x42: {  	_ =	swait.ge [sflag:s28], $0x1000  }
0x43: {  	[sflag:s28] =	ssyncset.done $0x0  }
0x44: {  	[sflag:s28] =	ssyncadd.s32 $0xFFFFF000  }
0x45: {  	_ =	swait.ge [sflag:s29], $0x1000  }
0x46: {  	[sflag:s29] =	ssyncset.done $0x0  }
0x47: {  	[sflag:s29] =	ssyncadd.s32 $0xFFFFF000  }
0x48: {  	_ =	swait.ge [sflag:s30], $0x1000  }
0x49: {  	[sflag:s30] =	ssyncset.done $0x0  }
0x4a: {  	[sflag:s30] =	ssyncadd.s32 $0xFFFFF000  }
0x4b: {  	_ =	swait.ge [sflag:s31], $0x1000  }
0x4c: {  	[sflag:s31] =	ssyncset.done $0x0  }
0x4d: {  	s11 =	sadd.s32 $0x1, s11;
	[sflag:s31] =	ssyncadd.s32 $0xFFFFF000  }
0x4e: {  	p0 =	sne.s32 s11, s5;
	_ =	swait.ge [sflag:s1], $0x1000  }
.Ltmp1:
0x4f: {  	[sflag:s1] =	ssyncset.done $0x0;
	(pc) =	sbr.rel @p0 .LBB2_1-.Ltmp1, $4  }
0x50: {  	[sflag:s1] =	ssyncadd.s32 $0xFFFFF000  }
0x51: {  	_ =	swait.ge [sflag:s0], $0x1000  }
0x52: {  	[sflag:s0] =	ssyncset.done $0x0  }
0x53: {  	[sflag:s0] =	ssyncadd.s32 $0xFFFFF000  }
0x54: {  	_ =	sfence.sel $0x180000  }
0x55: {  	[bflag:$0x0] =	sbarrier.arrive $0xFFFF  }
0x56: {  	_ =	strace $0x90000047  }
0x57: {  	s0 =	stileid.u32;
	[bflag:$0x2] =	sbarrier.arrive $0xFFFF  }
0x58: {  	p0 =	sne.s32 s0, $0x0;
	s0 =	rddreg [dreg:$0x3]  }
0x59: {  	s0 =	sadd.s32 @!p0 $0x100000, s0  }
0x5a: {  	[sflag:s0] =	ssyncadd.tile.s32 @!p0 $0x1;
	_ =	shalt  }
.Lfunc_end2:
_tile_overlayer_lowered:
.L_overlay_start_2:
0x5b: {  	(tag) =	ssettag $0x2  }
0x5c: {  	s0 =	rddreg [dreg:$0x0];
	s2 =	stileid.u32  }
0x5d: {  	s1 =	rddreg [dreg:$0x1];
	p0 =	sne.s32 s2, $0x0  }
0x5e: {  	s3 =	rddreg [dreg:$0x2];
	[bflag:$0x3] =	sbarrier.arrive $0xFFFF;
	s2 =	simm.s32 @!p0 $0x1C11  }
0x5f: {  	[timem:s3], [sflag:s2] =	dma.local @!p0 [hbm:s0], s1  }
0x60: {  	s0 =	simm.s32 @!p0 $0x11  }
0x61: {  	_ =	swait.ge @!p0 [sflag:s0], s1  }
0x62: {  	s1 =	ssub.s32 @!p0 $0x0, s1;
	[sflag:s0] =	ssyncset.done @!p0 $0x0  }
0x63: {  	[sflag:s0] =	ssyncadd.s32 @!p0 s1  }
0x64: {  	[bflag:$0x3] =	sbarrier.arrive $0xFFFF  }
0x65: {  	_ =	shalt  }

// kernel: sparse-core-data-format-call.cloned.1.call-start
scs
called_computation_lowered:
.L_overlay_start_0:
0x0: {  	s2 =	sld [smem:$0x3FD9]  }
0x1: {  	s3 =	sld [smem:$0x3FFE];
	_ =	sdelay $0x1  }
0x2: {  	s1 =	srdreg.scid  }
0x3: {  	s0 =	sand.u32 $0x1, s1  }
0x4: {  	s18 =	sshll.u32 s0, $0xA;
	s2 =	sadd.s32 s3, s2  }
0x5: {  	s2 =	sadd.s32 s2, s18  }
0x6: {  	[smem:$0x3FC6] =	sst s2  }
0x7: {  	_ = 	snop  }
0x8: {  	s2 =	sld [smem:$0x3FD0];
	(tm) =	ssettm $0x1  }
0x9: {  	s19 =	sld [smem:$0x3FFB];
	_ =	sdelay $0x3  }
0xa: {  	_ =	strace s19  }
0xb: {  	s3 =	sld [smem:$0x3FFC];
	_ =	sdelay $0x3  }
0xc: {  	_ =	strace s3  }
0xd: {  	s3 =	sld [smem:$0x3FFD];
	_ =	sdelay $0x3  }
0xe: {  	_ =	strace s3  }
0xf: {  	_ =	strace $0x8FFFFFFF  }
0x10: {  	s20 =	sld [smem:$0x3FDB];
	_ =	sdelay $0x1  }
0x11: {  	s4 =	simm.s32 $_scs_section_size  }
0x12: {  	s5 =	simm.s32 $_size__tile_overlayer_lowered;
	s6 =	simm.s32 $_tile_overlayer_lowered  }
0x13: {  	s23 =	simm.s32 $0x1BFF;
	s22 =	sshll.u32 s6, $0x1;
	s3 =	sadd.s32 s4, s20  }
0x14: {  	s7 =	simm.s32 $0x0;
	s21 =	sshll.u32 s5, $0x1;
	s5 =	sadd.s32 s22, s3  }
0x15: {  	[timem:s7], [sflag:s23] =	dma.local [hbm:s5], s21  }
0x16: {  	_ =	swait.ge [sflag:s23], s21  }
0x17: {  	s4 =	ssub.s32 $0x0, s21;
	[sflag:s23] =	ssyncset.done $0x0  }
0x18: {  	[sflag:s23] =	ssyncadd.s32 s4;
	_ =	sdelay $0x1  }
0x19: {  	s24 =	simm.s32 $0x1B8B  }
0x1a: {  	_ =	swait.ge [sflag:s24], $0x1  }
0x1b: {  	[sflag:s24] =	ssyncset.done $0x0  }
0x1c: {  	s26 =	simm.s32 $0x1B8E;
	s25 =	sld [smem:$0x3FFE];
	[sflag:s24] =	ssyncadd.s32 $0xFFFFFFFF  }
0x1d: {  	s27 =	simm.s32 $execute0_lowered;
	[smem:$0x3FD2] =	sst s26  }
0x1e: {  	s5 =	sshll.u32 s27, $0x1;
	_ =	strace $0x80000049;
	[dreg:$0x1] =	wrdreg $0xFFFFFFFF  }
0x1f: {  	s28 =	simm.s32 $_size_execute0_lowered;
	s3 =	sadd.s32 s3, s5;
	[dreg:$0x0] =	wrdreg $0x0  }
0x20: {  	s5 =	sshll.u32 s28, $0x1;
	[dreg:$0x2] =	wrdreg s3  }
0x21: {  	[dreg:$0x3] =	wrdreg s5  }
0x22: {  	[dreg:$0x4] =	wrdreg $0xC0  }
0x23: {  	_ =	task [dreg:s7], $0x5FFFF  }
0x24: {  	[dreg:$0x1] =	wrdreg $0xFFFFFFFF  }
0x25: {  	[dreg:$0x0] =	wrdreg $0x60  }
0x26: {  	[dreg:$0x2] =	wrdreg s25  }
0x27: {  	[dreg:$0x3] =	wrdreg s2  }
0x28: {  	[dreg:$0x4] =	wrdreg $0x9  }
0x29: {  	_ =	task.clear_ibuf [dreg:s7], $0x5FFFF;
	_ =	strace $0x90000049  }
0x2a: {  	s29 =	simm.s32 $0x9;
	_ =	strace $0x8000004B  }
0x2b: {  	_ =	swait.ge [sflag:s29], $0x1  }
0x2c: {  	[sflag:s29] =	ssyncadd.s32 $0xFFFFFFFF  }
0x2d: {  	_ =	strace $0x9000004B  }
0x2e: {  	_ =	sfence  }
0x2f: {  	s30 =	sld [smem:$0x0];
	_ =	sdelay $0x2  }
0x30: {  	s31 =	sshll.u32 s1, $0xD;
	s1 =	sshrl.u32 s1, $0x2  }
0x31: {  	s3 =	sand.u32 $0x4000, s31;
	s1 =	sadd.s32 s1, s30  }
0x32: {  	s0 =	sor.u32 s3, s0;
	s1 =	sshll.u32 s1, $0x11  }
0x33: {  	s0 =	sor.u32 s1, s0  }
0x34: {  	s0 =	sadd.s32 $0x8F2B, s0  }
0x35: {  	[sflag:s0] =	ssyncadd.remote.s32 $0x1  }
0x36: {  	_ =	sfence.sel $0xFFFF  }
0x37: {  	[dreg:$0x0] =	wrdreg $0xFFFFFFFF;
	(pc) =	sbr.abs _section_cstart, $3  }
0x38: {  	[dreg:$0x1] =	wrdreg $0xFFFFFFFF  }
0x39: {  	_ =	task.clear_ibuf [dreg:s7], $0x2FFFF;
	_ =	strace $0x9FFFFFFF  }
0x3a: {  	(tm) =	ssettm $0x7FFFFFFF  }
0x3b: {  	_ =	shalt  }
tec
execute0_lowered:
.L_overlay_start_1:
0x0: {  	(tag) =	ssettag $0x1  }
0x1: {  	s0 =	srdreg.scid  }
0x2: {  	s1 =	sshll.u32 s0, $0x4  }
0x3: {  	s4 =	rddreg [dreg:$0x0];
	s0 =	stileid.u32;
	s1 =	sand.u32 $0x10, s1  }
0x4: {  	s2 =	rddreg [dreg:$0x1];
	s7 =	simm.s32 $0x1;
	s1 =	sor.u32 s0, s1  }
0x5: {  	s8 =	simm.s32 $0x2;
	s11 =	simm.s32 $0x0;
	s3 =	sshll.u32 s1, $0x7  }
0x6: {  	s10 =	simm.s32 $0x0;
	s4 =	sadd.s32 $0x800, s4;
	s6 =	ssub.s32 $0xC8000, s3  }
.Ltmp0:
0x7: {  	s1 =	rddreg [dreg:$0x2];
	s5 =	sand.u32 $0xF80, s6;
	(pc) =	sbr.rel .LBB1_1-.Ltmp0, $4  }
0x8: {  	_ =	strace $0x8000004A;
	s9 =	smov.u32 s3;
	p0 =	sne.s32 s5, $0x0  }
0x9: {  	s6 =	sshrl.u32 s6, $0xC;
	s5 =	simm.s32 $0x1;
	s7 =	simm.s32 @!p0 $0x0  }
0xa: {  	[sflag:s5] =	ssyncpa.u1 $0x0;
	p0 =	por $0x0, $0x0;
	s6 =	sadd.s32 s7, s6  }
0xb: {  	[sflag:s8] =	ssyncpa.u1 $0x0;
	s8 =	simm.s32 $0x640000;
	s7 =	sadd.s32 $0x1, s6  }
.LBB1_4:
0xc: {  	s14 =	sshll.u32 s11, $0x3  }
0xd: {  	s30 =	sand.u32 $0x7F, s11;
	s15 =	sand.u32 $0xFFFFFC00, s14  }
0xe: {  	s11 =	sor.u32 s30, s15  }
0xf: {  	s15 =	smulhi.u32 $0x51EB851F, s11  }
0x10: {  	s14 =	smulhi.u32 $0x51EB851F, s14  }
0x11: {  	s15 =	sshrl.u32 s15, $0x12  }
0x12: {  	s14 =	sshrl.u32 s14, $0x12;
	s15 =	smul.u32 $0xC8000, s15  }
0x13: {  	s14 =	sand.u32 $0x1F, s14  }
0x14: {  	s14 =	smul.u32 $0x19000, s14;
	s11 =	ssub.s32 s11, s15  }
0x15: {  	s15 =	sand.u32 $0x7, s11  }
0x16: {  	s14 =	sadd.s32 s2, s14;
	s11 =	sshrl.u32 s11, $0x3;
	s15 =	sshll.u32 s15, $0x12  }
0x17: {  	[tilespmem:s13+$0x0 ss:$0x81] =	vst.msk $0xffff, v0;
	s11 =	sadd.s32 s11, s14;
	s31 =	sor.u32 $0x400, s15  }
0x18: {  	[hbm4b:s11+s31] =	stream.strided.scatter [tilespmem:s12], [sflag:$0x2], $0x1000, s8, s31, $0x20;
	[tilespmem:$0x4040] =	vst v63  }
.LBB1_5:
0x19: {  	s13 =	sadd.s32 $0x1000, s9  }
0x1a: {  	p2 =	sgt.s32 s13, $0xC7FFF  }
0x1b: {  	s13 =	smov.u32 @p2 s3;
	p2 =	sne.s32 s10, s7  }
.Ltmp1:
0x1c: {  	p1 =	slt.u32 s10, $0x2;
	(pc) =	sbr.rel @!p2 .LBB1_6-.Ltmp1, $4  }
0x1d: {  	s12 =	simm.s32 @!p1 $0x2  }
0x1e: {  	s14 =	sadd.s32 $0x1, s10;
	_ =	swait.ge @!p1 [sflag:s12], $0x1000  }
0x1f: {  	s11 =	smov.u32 s9;
	p0 =	por !p0, !p0;
	[sflag:s12] =	ssyncset.done @!p1 $0x0  }
0x20: {  	s10 =	smov.u32 s14;
	s9 =	smov.u32 s13;
	[sflag:s12] =	ssyncadd.s32 @!p1 $0xFFFFF000  }
.LBB1_1:
0x21: {  	p1 =	sge.u32 s10, s6  }
0x22: {  	s12 =	sand.u32 @!p1 $0x1FFFFFF, s9  }
0x23: {  	s13 =	smulhi.u32 @!p1 $0x147AE15, s12;
	_ =	sdelay $0x1  }
0x24: {  	s13 =	sshrl.u32 @!p1 s13, $0xC  }
0x25: {  	s13 =	smul.u32 @!p1 $0xC8000, s13;
	_ =	sdelay $0x1  }
0x26: {  	s31 =	sadd.s32 $0xFFFFFFFF, s10;
	s14 =	sxor.u32 @!p1 $0xFFFFFFFF, s10;
	s12 =	ssub.s32 @!p1 s12, s13  }
0x27: {  	s15 =	simm.s32 @!p1 $0x80;
	s14 =	sshll.u32 @!p1 s14, $0xC;
	s12 =	sshll.u32 @!p1 s12, $0x4  }
0x28: {  	s13 =	sand.u32 @!p1 $0x1000, s14;
	s14 =	simm.s32 @!p1 $0x20;
	s12 =	sadd.s32 @!p1 s4, s12  }
0x29: {  	[tilespmem:s13], [sflag:$0x1] =	stream.strided.gather @!p1 [hbm4b:s12+s14], $0x1000, s15, s14, $0x38;
	[tilespmem:$0x4040] =	vst v63  }
0x2a: {  	p1 =	sge.u32 s31, s6  }
.Ltmp2:
0x2b: {  	_ = 	snop;
	(pc) =	sbr.rel @p1 .LBB1_5-.Ltmp2, $1  }
0x2c: {  	_ =	sdelay $0x3  }
0x2d: {  	s12 =	simm.s32 $0x1  }
0x2e: {  	_ =	swait.ge [sflag:s5], $0x1000;
	s12 =	simm.s32 @!p0 $0x0  }
0x2f: {  	[sflag:s5] =	ssyncset.done $0x0;
	s13 =	sshll.u32 s12, $0xC  }
0x30: {  	[sflag:s5] =	ssyncadd.s32 $0xFFFFF000;
	s16 =	sor.u32 $0x10, s13  }
0x31: {  	s12 =	smul.u32 $0x4080, s12;
	v1 =	vld [tilespmem:s16+$0x0]  }
0x32: {  	s30 =	sand.u32 $0x1, s10;
	v0 =	vld [tilespmem:s16+$0xFFFFFFF0]  }
0x33: {  	s13 =	smul.u32 $0x4080, s30;
	s12 =	sshrl.u32 s12, $0x2  }
0x34: {  	s14 =	sor.u32 $0x2000, s12  }
0x35: {  	s31 =	sshrl.u32 s13, $0x2;
	s13 =	sadd.s32 $0x0, s14  }
0x36: {  	s15 =	simm.s32 $0x4;
	s16 =	sadd.s32 $0x20, s16;
	s12 =	sor.u32 $0x2000, s31;
	[tilespmem:s13+$0x810 ss:$0x81] =	vst.msk $0xffff, v1  }
.LBB1_3:
0x37: {  	v1 =	vld [tilespmem:s16+$0x0];
	p1 =	sne.s32 s15, $0x1FC;
	[tilespmem:s13+$0x0 ss:$0x81] =	vst.msk $0xffff, v0;
	s13 =	smov.u32 s15;
	s15 =	sadd.s32 $0x4, s15  }
.Ltmp3:
0x38: {  	v0 =	vld [tilespmem:s16+$0xFFFFFFF0];
	(pc) =	sbr.rel @p1 .LBB1_3-.Ltmp3, $4  }
0x39: {  	_ = 	snop  }
0x3a: {  	s13 =	sshra.s32 s13, $0x2  }
0x3b: {  	s13 =	sadd.s32 s13, s14  }
0x3c: {  	s16 =	sadd.s32 $0x20, s16;
	[tilespmem:s13+$0x810 ss:$0x81] =	vst.msk $0xffff, v1  }
.Ltmp4:
0x3d: {  	_ = 	snop;
	(pc) =	sbr.rel .LBB1_4-.Ltmp4, $1  }
0x3e: {  	_ =	sdelay $0x3  }
.LBB1_6:
0x3f: {  	_ =	sfence.sel $0x180000  }
0x40: {  	s2 =	simm.s32 $0x1;
	[bflag:$0x0] =	sbarrier.arrive $0xFFFF  }
0x41: {  	s31 =	simm.s32 $0x2;
	[sflag:s2] =	ssyncpa.u1 $0x1  }
0x42: {  	[sflag:s31] =	ssyncpa.u1 $0x1  }
0x43: {  	p0 =	sne.s32 s0, $0x0;
	_ =	strace $0x9000004A  }
0x44: {  	s0 =	sadd.s32 @!p0 $0x100000, s1;
	[bflag:$0x2] =	sbarrier.arrive $0xFFFF  }
0x45: {  	[sflag:s0] =	ssyncadd.tile.s32 @!p0 $0x1;
	_ =	shalt  }
.Lfunc_end1:
_tile_overlayer_lowered:
.L_overlay_start_2:
0x46: {  	(tag) =	ssettag $0x2  }
0x47: {  	s0 =	rddreg [dreg:$0x0];
	s2 =	stileid.u32  }
0x48: {  	s1 =	rddreg [dreg:$0x1];
	p0 =	sne.s32 s2, $0x0  }
0x49: {  	s3 =	rddreg [dreg:$0x2];
	[bflag:$0x3] =	sbarrier.arrive $0xFFFF;
	s2 =	simm.s32 @!p0 $0x1C01  }
0x4a: {  	[timem:s3], [sflag:s2] =	dma.local @!p0 [hbm:s0], s1  }
0x4b: {  	s0 =	simm.s32 @!p0 $0x1  }
0x4c: {  	_ =	swait.ge @!p0 [sflag:s0], s1  }
0x4d: {  	s1 =	ssub.s32 @!p0 $0x0, s1;
	[sflag:s0] =	ssyncset.done @!p0 $0x0  }
0x4e: {  	[sflag:s0] =	ssyncadd.s32 @!p0 s1  }
0x4f: {  	[bflag:$0x3] =	sbarrier.arrive $0xFFFF  }
0x50: {  	_ =	shalt  }

</sc_bundles>
